<compile_context>
chip_gen: v7x
topology: tpu7x:2x2x1
jax: 0.10.2.dev20260603
libtpu: 0.0.44.dev20260713+nightly
codegen_flags: <defaults>
</compile_context>

<pallas_src>
import functools

import jax
import jax.numpy as jnp
from jax import lax
from jax.experimental import pallas as pl
from jax.experimental.pallas import tpu as pltpu
from jax.experimental.pallas import tpu_sc as plsc


_L = 1024
_D = 1024
_B = 8
_NCG = 4
_CW = _D // _NCG
_NV = _CW // 16
_R = 128
_NCH = _L // _R


def _sc_segmax(x):
    mesh = plsc.VectorSubcoreMesh(core_axis_name="c", subcore_axis_name="s")

    @functools.partial(
        pl.kernel,
        mesh=mesh,
        out_type=jax.ShapeDtypeStruct((_B, _D), jnp.float32),
        scratch_types=[
            pltpu.VMEM((_R, _CW), jnp.float32),
            pltpu.VMEM((_R, _CW), jnp.float32),
            pltpu.VMEM((_CW,), jnp.float32),
            pltpu.SemaphoreType.DMA,
            pltpu.SemaphoreType.DMA,
        ],
    )
    def k(x_hbm, out_hbm, buf0, buf1, ovec, sem0, sem1):
        wid = lax.axis_index("s") * 2 + lax.axis_index("c")
        seg = wid // _NCG
        q = wid % _NCG
        col0 = q * _CW
        row0 = seg * _L
        bufs = (buf0, buf1)
        sems = (sem0, sem1)
        descs = [None, None]

        def start(c):
            b = c % 2
            descs[b] = pltpu.async_copy(
                x_hbm.at[pl.ds(row0 + c * _R, _R), pl.ds(col0, _CW)],
                bufs[b], sems[b])

        start(0)
        acc = tuple(jnp.full((16,), -jnp.inf, jnp.float32) for _ in range(_NV))
        for c in range(_NCH):
            b = c % 2
            if c + 1 < _NCH:
                start(c + 1)
            descs[b].wait()
            buf = bufs[b]

            def body(r, a, buf=buf):
                return tuple(
                    jnp.maximum(a[j], buf[r, pl.ds(j * 16, 16)])
                    for j in range(_NV))

            acc = lax.fori_loop(0, _R, body, acc)
        for j in range(_NV):
            ovec[pl.ds(j * 16, 16)] = acc[j]
        pltpu.sync_copy(ovec, out_hbm.at[seg, pl.ds(col0, _CW)])

    return k(x)


def kernel(x, lengths):
    del lengths
    out = _sc_segmax(x)
    return (out, None)

# --- scband reference (transcript-rebuilt; emitter-appended) ---
"""Pipeline reference for scband-max-pooling-40845138985510 (READ-ONLY COPY).

The authoritative reference and input builder live on the scoring server;
editing this copy changes nothing except your own understanding.
"""

import jax, jax.numpy as jnp
import numpy as np


def setup_inputs(seed: int = 0) -> dict:
    key = jax.random.key(seed)
    kx, = jax.random.split(key, 1)
    total_tokens = 8192
    d_model = 1024
    x = jax.random.normal(kx, (total_tokens, d_model), dtype=jnp.float32)
    # torch.split(x, int) semantics: split into equal chunks of size `lengths`
    lengths = 1024  # python int: chunk length; batch = total_tokens // lengths = 8
    return {"x": x, "lengths": lengths}


def reference(x, lengths):
    # Faithful to: torch.cat([torch.max(x_i, dim=0, keepdim=True).values for x_i in torch.split(x, lengths)])
    # With an int `lengths`, torch.split produces total//lengths equal-size segments;
    # per-segment max over the token axis is a reshape + max reduction.
    total_tokens, d = x.shape
    L = 1024  # static chunk length always passed by setup_inputs
    B = total_tokens // L
    out = jnp.max(x.reshape(B, L, d), axis=1)
    lengths_arr = jnp.asarray(lengths)
    out = out * (lengths_arr // lengths_arr).astype(out.dtype)
    attn_weights = None
    return (out, attn_weights)

if __name__ == "__main__":
    import jax
    _d = setup_inputs()
    print(jax.jit(kernel)(*tuple(_d.values())))

</pallas_src>

<mosaic_0001>
#map = affine_map<(d0, d1) -> (0, 0)>
module attributes {stable_mosaic.version = 14 : i64} {
  func.func @k(%arg0: i32, %arg1: i32, %arg2: memref<8192x1024xf32, #tpu.memory_space<hbm>>, %arg3: memref<8x1024xf32, #tpu.memory_space<hbm>>, %arg4: memref<128x256xf32, #tpu.memory_space<vmem>>, %arg5: memref<128x256xf32, #tpu.memory_space<vmem>>, %arg6: memref<256xf32, #tpu.memory_space<vmem>>, %arg7: memref<!tpu.dma_semaphore, #tpu.memory_space<semaphore_mem>>, %arg8: memref<!tpu.dma_semaphore, #tpu.memory_space<semaphore_mem>>) attributes {dimension_semantics = [#tpu.dimension_semantics<core_parallel>, #tpu.dimension_semantics<subcore_parallel>], iteration_bounds = array<i64: 2, 16>, scalar_prefetch = 0 : i64, scratch_operands = 5 : i64, tpu.core_type = #tpu.core_type<sc_vector_subcore>, window_params = [{transform_indices = #map}, {transform_indices = #map}]} {
    %mul3A = arith.constant 2 : i32
    %mul3A_0 = arith.muli %arg1, %mul3A : i32
    %add3A = arith.addi %mul3A_0, %arg0 : i32
    %jit3A = arith.constant 4 : i32
    %div3A = arith.divsi %add3A, %jit3A : i32
    %sign3A = arith.constant 0 : i32
    %sign3A_1 = arith.cmpi sgt, %add3A, %sign3A : i32
    %sign3A_2 = arith.extui %sign3A_1 : i1 to i32
    %sign3A_3 = arith.constant 0 : i32
    %sign3A_4 = arith.cmpi slt, %add3A, %sign3A_3 : i32
    %sign3A_5 = arith.extui %sign3A_4 : i1 to i32
    %sign3A_6 = arith.subi %sign3A_2, %sign3A_5 : i32
    %sign3A_7 = arith.constant 0 : i32
    %sign3A_8 = arith.cmpi sgt, %jit3A, %sign3A_7 : i32
    %sign3A_9 = arith.extui %sign3A_8 : i1 to i32
    %sign3A_10 = arith.constant 0 : i32
    %sign3A_11 = arith.cmpi slt, %jit3A, %sign3A_10 : i32
    %sign3A_12 = arith.extui %sign3A_11 : i1 to i32
    %sign3A_13 = arith.subi %sign3A_9, %sign3A_12 : i32
    %ne3A = arith.cmpi ne, %sign3A_6, %sign3A_13 : i32
    %rem3A = arith.remsi %add3A, %jit3A : i32
    %ne3A_14 = arith.constant 0 : i32
    %ne3A_15 = arith.cmpi ne, %rem3A, %ne3A_14 : i32
    %and3A = arith.andi %ne3A, %ne3A_15 : i1
    %sub3A = arith.constant 1 : i32
    %sub3A_16 = arith.subi %div3A, %sub3A : i32
    %select_n3A = arith.select %and3A, %sub3A_16, %div3A : i32
    %jit3A_17 = arith.constant 4 : i32
    %eq3A = arith.constant 0 : i32
    %eq3A_18 = arith.cmpi eq, %jit3A_17, %eq3A : i32
    %jit3A_19 = arith.constant 1 : i32
    %select_n3A_20 = arith.select %eq3A_18, %jit3A_19, %jit3A_17 : i32
    %rem3A_21 = arith.remsi %add3A, %select_n3A_20 : i32
    %ne3A_22 = arith.constant 0 : i32
    %ne3A_23 = arith.cmpi ne, %rem3A_21, %ne3A_22 : i32
    %lt3A = arith.constant 0 : i32
    %lt3A_24 = arith.cmpi slt, %rem3A_21, %lt3A : i32
    %lt3A_25 = arith.constant 0 : i32
    %lt3A_26 = arith.cmpi slt, %select_n3A_20, %lt3A_25 : i32
    %ne3A_27 = arith.xori %lt3A_24, %lt3A_26 : i1
    %and3A_28 = arith.andi %ne3A_27, %ne3A_23 : i1
    %add3A_29 = arith.addi %rem3A_21, %select_n3A_20 : i32
    %select_n3A_30 = arith.select %and3A_28, %add3A_29, %rem3A_21 : i32
    %mul3A_31 = arith.constant 256 : i32
    %mul3A_32 = arith.muli %select_n3A_30, %mul3A_31 : i32
    %mul3A_33 = arith.constant 1024 : i32
    %mul3A_34 = arith.muli %select_n3A, %mul3A_33 : i32
    %add3A_35 = arith.constant 0 : i32
    %add3A_36 = arith.addi %mul3A_34, %add3A_35 : i32
    %dma_start3A = tpu.memref_slice %arg2[%add3A_36, %mul3A_32] : memref<8192x1024xf32, #tpu.memory_space<hbm>> -> memref<128x256xf32, #tpu.memory_space<hbm>>
    %dma_start3A_37 = tpu.memref_slice %arg2[%add3A_36, %mul3A_32] : memref<8192x1024xf32, #tpu.memory_space<hbm>> -> memref<128x256xf32, #tpu.memory_space<hbm>>
    tpu.enqueue_dma source(%dma_start3A_37 : memref<128x256xf32, #tpu.memory_space<hbm>>) target(%arg4 : memref<128x256xf32, #tpu.memory_space<vmem>>) target_semaphore(%arg7 : memref<!tpu.dma_semaphore, #tpu.memory_space<semaphore_mem>>)
    %broadcast_in_dim3A = arith.constant 0xFF800000 : f32
    %broadcast_in_dim3A_38 = vector.broadcast %broadcast_in_dim3A : f32 to vector<16xf32>
    %broadcast_in_dim3A_39 = arith.constant 0xFF800000 : f32
    %broadcast_in_dim3A_40 = vector.broadcast %broadcast_in_dim3A_39 : f32 to vector<16xf32>
    %broadcast_in_dim3A_41 = arith.constant 0xFF800000 : f32
    %broadcast_in_dim3A_42 = vector.broadcast %broadcast_in_dim3A_41 : f32 to vector<16xf32>
    %broadcast_in_dim3A_43 = arith.constant 0xFF800000 : f32
    %broadcast_in_dim3A_44 = vector.broadcast %broadcast_in_dim3A_43 : f32 to vector<16xf32>
    %broadcast_in_dim3A_45 = arith.constant 0xFF800000 : f32
    %broadcast_in_dim3A_46 = vector.broadcast %broadcast_in_dim3A_45 : f32 to vector<16xf32>
    %broadcast_in_dim3A_47 = arith.constant 0xFF800000 : f32
    %broadcast_in_dim3A_48 = vector.broadcast %broadcast_in_dim3A_47 : f32 to vector<16xf32>
    %broadcast_in_dim3A_49 = arith.constant 0xFF800000 : f32
    %broadcast_in_dim3A_50 = vector.broadcast %broadcast_in_dim3A_49 : f32 to vector<16xf32>
    %broadcast_in_dim3A_51 = arith.constant 0xFF800000 : f32
    %broadcast_in_dim3A_52 = vector.broadcast %broadcast_in_dim3A_51 : f32 to vector<16xf32>
    %broadcast_in_dim3A_53 = arith.constant 0xFF800000 : f32
    %broadcast_in_dim3A_54 = vector.broadcast %broadcast_in_dim3A_53 : f32 to vector<16xf32>
    %broadcast_in_dim3A_55 = arith.constant 0xFF800000 : f32
    %broadcast_in_dim3A_56 = vector.broadcast %broadcast_in_dim3A_55 : f32 to vector<16xf32>
    %broadcast_in_dim3A_57 = arith.constant 0xFF800000 : f32
    %broadcast_in_dim3A_58 = vector.broadcast %broadcast_in_dim3A_57 : f32 to vector<16xf32>
    %broadcast_in_dim3A_59 = arith.constant 0xFF800000 : f32
    %broadcast_in_dim3A_60 = vector.broadcast %broadcast_in_dim3A_59 : f32 to vector<16xf32>
    %broadcast_in_dim3A_61 = arith.constant 0xFF800000 : f32
    %broadcast_in_dim3A_62 = vector.broadcast %broadcast_in_dim3A_61 : f32 to vector<16xf32>
    %broadcast_in_dim3A_63 = arith.constant 0xFF800000 : f32
    %broadcast_in_dim3A_64 = vector.broadcast %broadcast_in_dim3A_63 : f32 to vector<16xf32>
    %broadcast_in_dim3A_65 = arith.constant 0xFF800000 : f32
    %broadcast_in_dim3A_66 = vector.broadcast %broadcast_in_dim3A_65 : f32 to vector<16xf32>
    %broadcast_in_dim3A_67 = arith.constant 0xFF800000 : f32
    %broadcast_in_dim3A_68 = vector.broadcast %broadcast_in_dim3A_67 : f32 to vector<16xf32>
    %add3A_69 = arith.constant 128 : i32
    %add3A_70 = arith.addi %mul3A_34, %add3A_69 : i32
    %dma_start3A_71 = tpu.memref_slice %arg2[%add3A_70, %mul3A_32] : memref<8192x1024xf32, #tpu.memory_space<hbm>> -> memref<128x256xf32, #tpu.memory_space<hbm>>
    %dma_start3A_72 = tpu.memref_slice %arg2[%add3A_70, %mul3A_32] : memref<8192x1024xf32, #tpu.memory_space<hbm>> -> memref<128x256xf32, #tpu.memory_space<hbm>>
    tpu.enqueue_dma source(%dma_start3A_72 : memref<128x256xf32, #tpu.memory_space<hbm>>) target(%arg5 : memref<128x256xf32, #tpu.memory_space<vmem>>) target_semaphore(%arg8 : memref<!tpu.dma_semaphore, #tpu.memory_space<semaphore_mem>>)
    %dma_wait3A = tpu.memref_slice %arg2[%add3A_36, %mul3A_32] : memref<8192x1024xf32, #tpu.memory_space<hbm>> -> memref<128x256xf32, #tpu.memory_space<hbm>>
    %dma_wait3A_73 = tpu.memref_slice %arg2[%add3A_36, %mul3A_32] : memref<8192x1024xf32, #tpu.memory_space<hbm>> -> memref<128x256xf32, #tpu.memory_space<hbm>>
    tpu.wait_dma2 semaphore(%arg7 : memref<!tpu.dma_semaphore, #tpu.memory_space<semaphore_mem>>) src(%dma_wait3A_73 : memref<128x256xf32, #tpu.memory_space<hbm>>) dst(%arg4 : memref<128x256xf32, #tpu.memory_space<vmem>>)
    %scan3A = arith.constant 0 : i32
    %scan3A_74 = arith.constant 128 : i32
    %scan3A_75 = arith.addi %scan3A, %scan3A_74 : i32
    %scan3A_76 = arith.constant 1 : i32
    %scan3A_77:16 = scf.for %scan3A_222 = %scan3A to %scan3A_75 step %scan3A_76 iter_args(%scan3A_223 = %broadcast_in_dim3A_38, %scan3A_224 = %broadcast_in_dim3A_40, %scan3A_225 = %broadcast_in_dim3A_42, %scan3A_226 = %broadcast_in_dim3A_44, %scan3A_227 = %broadcast_in_dim3A_46, %scan3A_228 = %broadcast_in_dim3A_48, %scan3A_229 = %broadcast_in_dim3A_50, %scan3A_230 = %broadcast_in_dim3A_52, %scan3A_231 = %broadcast_in_dim3A_54, %scan3A_232 = %broadcast_in_dim3A_56, %scan3A_233 = %broadcast_in_dim3A_58, %scan3A_234 = %broadcast_in_dim3A_60, %scan3A_235 = %broadcast_in_dim3A_62, %scan3A_236 = %broadcast_in_dim3A_64, %scan3A_237 = %broadcast_in_dim3A_66, %scan3A_238 = %broadcast_in_dim3A_68) -> (vector<16xf32>, vector<16xf32>, vector<16xf32>, vector<16xf32>, vector<16xf32>, vector<16xf32>, vector<16xf32>, vector<16xf32>, vector<16xf32>, vector<16xf32>, vector<16xf32>, vector<16xf32>, vector<16xf32>, vector<16xf32>, vector<16xf32>, vector<16xf32>)  : i32 {
      %get3A = arith.index_cast %scan3A_222 : i32 to index
      %get3A_239 = arith.constant 0 : index
      %get3A_240 = tpu.vector_load %arg4[%get3A, %get3A_239] {strides = array<i32>} : memref<128x256xf32, #tpu.memory_space<vmem>>, vector<1x16xf32>,
      %get3A_241 = vector.shape_cast %get3A_240 : vector<1x16xf32> to vector<16xf32>
      %max3A = arith.maximumf %scan3A_223, %get3A_241 : vector<16xf32>
      %get3A_242 = arith.index_cast %scan3A_222 : i32 to index
      %get3A_243 = arith.constant 16 : index
      %get3A_244 = tpu.vector_load %arg4[%get3A_242, %get3A_243] {strides = array<i32>} : memref<128x256xf32, #tpu.memory_space<vmem>>, vector<1x16xf32>,
      %get3A_245 = vector.shape_cast %get3A_244 : vector<1x16xf32> to vector<16xf32>
      %max3A_246 = arith.maximumf %scan3A_224, %get3A_245 : vector<16xf32>
      %get3A_247 = arith.index_cast %scan3A_222 : i32 to index
      %get3A_248 = arith.constant 32 : index
      %get3A_249 = tpu.vector_load %arg4[%get3A_247, %get3A_248] {strides = array<i32>} : memref<128x256xf32, #tpu.memory_space<vmem>>, vector<1x16xf32>,
      %get3A_250 = vector.shape_cast %get3A_249 : vector<1x16xf32> to vector<16xf32>
      %max3A_251 = arith.maximumf %scan3A_225, %get3A_250 : vector<16xf32>
      %get3A_252 = arith.index_cast %scan3A_222 : i32 to index
      %get3A_253 = arith.constant 48 : index
      %get3A_254 = tpu.vector_load %arg4[%get3A_252, %get3A_253] {strides = array<i32>} : memref<128x256xf32, #tpu.memory_space<vmem>>, vector<1x16xf32>,
      %get3A_255 = vector.shape_cast %get3A_254 : vector<1x16xf32> to vector<16xf32>
      %max3A_256 = arith.maximumf %scan3A_226, %get3A_255 : vector<16xf32>
      %get3A_257 = arith.index_cast %scan3A_222 : i32 to index
      %get3A_258 = arith.constant 64 : index
      %get3A_259 = tpu.vector_load %arg4[%get3A_257, %get3A_258] {strides = array<i32>} : memref<128x256xf32, #tpu.memory_space<vmem>>, vector<1x16xf32>,
      %get3A_260 = vector.shape_cast %get3A_259 : vector<1x16xf32> to vector<16xf32>
      %max3A_261 = arith.maximumf %scan3A_227, %get3A_260 : vector<16xf32>
      %get3A_262 = arith.index_cast %scan3A_222 : i32 to index
      %get3A_263 = arith.constant 80 : index
      %get3A_264 = tpu.vector_load %arg4[%get3A_262, %get3A_263] {strides = array<i32>} : memref<128x256xf32, #tpu.memory_space<vmem>>, vector<1x16xf32>,
      %get3A_265 = vector.shape_cast %get3A_264 : vector<1x16xf32> to vector<16xf32>
      %max3A_266 = arith.maximumf %scan3A_228, %get3A_265 : vector<16xf32>
      %get3A_267 = arith.index_cast %scan3A_222 : i32 to index
      %get3A_268 = arith.constant 96 : index
      %get3A_269 = tpu.vector_load %arg4[%get3A_267, %get3A_268] {strides = array<i32>} : memref<128x256xf32, #tpu.memory_space<vmem>>, vector<1x16xf32>,
      %get3A_270 = vector.shape_cast %get3A_269 : vector<1x16xf32> to vector<16xf32>
      %max3A_271 = arith.maximumf %scan3A_229, %get3A_270 : vector<16xf32>
      %get3A_272 = arith.index_cast %scan3A_222 : i32 to index
      %get3A_273 = arith.constant 112 : index
      %get3A_274 = tpu.vector_load %arg4[%get3A_272, %get3A_273] {strides = array<i32>} : memref<128x256xf32, #tpu.memory_space<vmem>>, vector<1x16xf32>,
      %get3A_275 = vector.shape_cast %get3A_274 : vector<1x16xf32> to vector<16xf32>
      %max3A_276 = arith.maximumf %scan3A_230, %get3A_275 : vector<16xf32>
      %get3A_277 = arith.index_cast %scan3A_222 : i32 to index
      %get3A_278 = arith.constant 128 : index
      %get3A_279 = tpu.vector_load %arg4[%get3A_277, %get3A_278] {strides = array<i32>} : memref<128x256xf32, #tpu.memory_space<vmem>>, vector<1x16xf32>,
      %get3A_280 = vector.shape_cast %get3A_279 : vector<1x16xf32> to vector<16xf32>
      %max3A_281 = arith.maximumf %scan3A_231, %get3A_280 : vector<16xf32>
      %get3A_282 = arith.index_cast %scan3A_222 : i32 to index
      %get3A_283 = arith.constant 144 : index
      %get3A_284 = tpu.vector_load %arg4[%get3A_282, %get3A_283] {strides = array<i32>} : memref<128x256xf32, #tpu.memory_space<vmem>>, vector<1x16xf32>,
      %get3A_285 = vector.shape_cast %get3A_284 : vector<1x16xf32> to vector<16xf32>
      %max3A_286 = arith.maximumf %scan3A_232, %get3A_285 : vector<16xf32>
      %get3A_287 = arith.index_cast %scan3A_222 : i32 to index
      %get3A_288 = arith.constant 160 : index
      %get3A_289 = tpu.vector_load %arg4[%get3A_287, %get3A_288] {strides = array<i32>} : memref<128x256xf32, #tpu.memory_space<vmem>>, vector<1x16xf32>,
      %get3A_290 = vector.shape_cast %get3A_289 : vector<1x16xf32> to vector<16xf32>
      %max3A_291 = arith.maximumf %scan3A_233, %get3A_290 : vector<16xf32>
      %get3A_292 = arith.index_cast %scan3A_222 : i32 to index
      %get3A_293 = arith.constant 176 : index
      %get3A_294 = tpu.vector_load %arg4[%get3A_292, %get3A_293] {strides = array<i32>} : memref<128x256xf32, #tpu.memory_space<vmem>>, vector<1x16xf32>,
      %get3A_295 = vector.shape_cast %get3A_294 : vector<1x16xf32> to vector<16xf32>
      %max3A_296 = arith.maximumf %scan3A_234, %get3A_295 : vector<16xf32>
      %get3A_297 = arith.index_cast %scan3A_222 : i32 to index
      %get3A_298 = arith.constant 192 : index
      %get3A_299 = tpu.vector_load %arg4[%get3A_297, %get3A_298] {strides = array<i32>} : memref<128x256xf32, #tpu.memory_space<vmem>>, vector<1x16xf32>,
      %get3A_300 = vector.shape_cast %get3A_299 : vector<1x16xf32> to vector<16xf32>
      %max3A_301 = arith.maximumf %scan3A_235, %get3A_300 : vector<16xf32>
      %get3A_302 = arith.index_cast %scan3A_222 : i32 to index
      %get3A_303 = arith.constant 208 : index
      %get3A_304 = tpu.vector_load %arg4[%get3A_302, %get3A_303] {strides = array<i32>} : memref<128x256xf32, #tpu.memory_space<vmem>>, vector<1x16xf32>,
      %get3A_305 = vector.shape_cast %get3A_304 : vector<1x16xf32> to vector<16xf32>
      %max3A_306 = arith.maximumf %scan3A_236, %get3A_305 : vector<16xf32>
      %get3A_307 = arith.index_cast %scan3A_222 : i32 to index
      %get3A_308 = arith.constant 224 : index
      %get3A_309 = tpu.vector_load %arg4[%get3A_307, %get3A_308] {strides = array<i32>} : memref<128x256xf32, #tpu.memory_space<vmem>>, vector<1x16xf32>,
      %get3A_310 = vector.shape_cast %get3A_309 : vector<1x16xf32> to vector<16xf32>
      %max3A_311 = arith.maximumf %scan3A_237, %get3A_310 : vector<16xf32>
      %get3A_312 = arith.index_cast %scan3A_222 : i32 to index
      %get3A_313 = arith.constant 240 : index
      %get3A_314 = tpu.vector_load %arg4[%get3A_312, %get3A_313] {strides = array<i32>} : memref<128x256xf32, #tpu.memory_space<vmem>>, vector<1x16xf32>,
      %get3A_315 = vector.shape_cast %get3A_314 : vector<1x16xf32> to vector<16xf32>
      %max3A_316 = arith.maximumf %scan3A_238, %get3A_315 : vector<16xf32>
      scf.yield %max3A, %max3A_246, %max3A_251, %max3A_256, %max3A_261, %max3A_266, %max3A_271, %max3A_276, %max3A_281, %max3A_286, %max3A_291, %max3A_296, %max3A_301, %max3A_306, %max3A_311, %max3A_316 : vector<16xf32>, vector<16xf32>, vector<16xf32>, vector<16xf32>, vector<16xf32>, vector<16xf32>, vector<16xf32>, vector<16xf32>, vector<16xf32>, vector<16xf32>, vector<16xf32>, vector<16xf32>, vector<16xf32>, vector<16xf32>, vector<16xf32>, vector<16xf32>
    }
    %scan3A_78 = arith.constant 128 : i32
    %add3A_79 = arith.constant 256 : i32
    %add3A_80 = arith.addi %mul3A_34, %add3A_79 : i32
    %dma_start3A_81 = tpu.memref_slice %arg2[%add3A_80, %mul3A_32] : memref<8192x1024xf32, #tpu.memory_space<hbm>> -> memref<128x256xf32, #tpu.memory_space<hbm>>
    %dma_start3A_82 = tpu.memref_slice %arg2[%add3A_80, %mul3A_32] : memref<8192x1024xf32, #tpu.memory_space<hbm>> -> memref<128x256xf32, #tpu.memory_space<hbm>>
    tpu.enqueue_dma source(%dma_start3A_82 : memref<128x256xf32, #tpu.memory_space<hbm>>) target(%arg4 : memref<128x256xf32, #tpu.memory_space<vmem>>) target_semaphore(%arg7 : memref<!tpu.dma_semaphore, #tpu.memory_space<semaphore_mem>>)
    %dma_wait3A_83 = tpu.memref_slice %arg2[%add3A_70, %mul3A_32] : memref<8192x1024xf32, #tpu.memory_space<hbm>> -> memref<128x256xf32, #tpu.memory_space<hbm>>
    %dma_wait3A_84 = tpu.memref_slice %arg2[%add3A_70, %mul3A_32] : memref<8192x1024xf32, #tpu.memory_space<hbm>> -> memref<128x256xf32, #tpu.memory_space<hbm>>
    tpu.wait_dma2 semaphore(%arg8 : memref<!tpu.dma_semaphore, #tpu.memory_space<semaphore_mem>>) src(%dma_wait3A_84 : memref<128x256xf32, #tpu.memory_space<hbm>>) dst(%arg5 : memref<128x256xf32, #tpu.memory_space<vmem>>)
    %scan3A_85 = arith.constant 0 : i32
    %scan3A_86 = arith.constant 128 : i32
    %scan3A_87 = arith.addi %scan3A_85, %scan3A_86 : i32
    %scan3A_88 = arith.constant 1 : i32
    %scan3A_89:16 = scf.for %scan3A_222 = %scan3A_85 to %scan3A_87 step %scan3A_88 iter_args(%scan3A_223 = %scan3A_77#0, %scan3A_224 = %scan3A_77#1, %scan3A_225 = %scan3A_77#2, %scan3A_226 = %scan3A_77#3, %scan3A_227 = %scan3A_77#4, %scan3A_228 = %scan3A_77#5, %scan3A_229 = %scan3A_77#6, %scan3A_230 = %scan3A_77#7, %scan3A_231 = %scan3A_77#8, %scan3A_232 = %scan3A_77#9, %scan3A_233 = %scan3A_77#10, %scan3A_234 = %scan3A_77#11, %scan3A_235 = %scan3A_77#12, %scan3A_236 = %scan3A_77#13, %scan3A_237 = %scan3A_77#14, %scan3A_238 = %scan3A_77#15) -> (vector<16xf32>, vector<16xf32>, vector<16xf32>, vector<16xf32>, vector<16xf32>, vector<16xf32>, vector<16xf32>, vector<16xf32>, vector<16xf32>, vector<16xf32>, vector<16xf32>, vector<16xf32>, vector<16xf32>, vector<16xf32>, vector<16xf32>, vector<16xf32>)  : i32 {
      %get3A = arith.index_cast %scan3A_222 : i32 to index
      %get3A_239 = arith.constant 0 : index
      %get3A_240 = tpu.vector_load %arg5[%get3A, %get3A_239] {strides = array<i32>} : memref<128x256xf32, #tpu.memory_space<vmem>>, vector<1x16xf32>,
      %get3A_241 = vector.shape_cast %get3A_240 : vector<1x16xf32> to vector<16xf32>
      %max3A = arith.maximumf %scan3A_223, %get3A_241 : vector<16xf32>
      %get3A_242 = arith.index_cast %scan3A_222 : i32 to index
      %get3A_243 = arith.constant 16 : index
      %get3A_244 = tpu.vector_load %arg5[%get3A_242, %get3A_243] {strides = array<i32>} : memref<128x256xf32, #tpu.memory_space<vmem>>, vector<1x16xf32>,
      %get3A_245 = vector.shape_cast %get3A_244 : vector<1x16xf32> to vector<16xf32>
      %max3A_246 = arith.maximumf %scan3A_224, %get3A_245 : vector<16xf32>
      %get3A_247 = arith.index_cast %scan3A_222 : i32 to index
      %get3A_248 = arith.constant 32 : index
      %get3A_249 = tpu.vector_load %arg5[%get3A_247, %get3A_248] {strides = array<i32>} : memref<128x256xf32, #tpu.memory_space<vmem>>, vector<1x16xf32>,
      %get3A_250 = vector.shape_cast %get3A_249 : vector<1x16xf32> to vector<16xf32>
      %max3A_251 = arith.maximumf %scan3A_225, %get3A_250 : vector<16xf32>
      %get3A_252 = arith.index_cast %scan3A_222 : i32 to index
      %get3A_253 = arith.constant 48 : index
      %get3A_254 = tpu.vector_load %arg5[%get3A_252, %get3A_253] {strides = array<i32>} : memref<128x256xf32, #tpu.memory_space<vmem>>, vector<1x16xf32>,
      %get3A_255 = vector.shape_cast %get3A_254 : vector<1x16xf32> to vector<16xf32>
      %max3A_256 = arith.maximumf %scan3A_226, %get3A_255 : vector<16xf32>
      %get3A_257 = arith.index_cast %scan3A_222 : i32 to index
      %get3A_258 = arith.constant 64 : index
      %get3A_259 = tpu.vector_load %arg5[%get3A_257, %get3A_258] {strides = array<i32>} : memref<128x256xf32, #tpu.memory_space<vmem>>, vector<1x16xf32>,
      %get3A_260 = vector.shape_cast %get3A_259 : vector<1x16xf32> to vector<16xf32>
      %max3A_261 = arith.maximumf %scan3A_227, %get3A_260 : vector<16xf32>
      %get3A_262 = arith.index_cast %scan3A_222 : i32 to index
      %get3A_263 = arith.constant 80 : index
      %get3A_264 = tpu.vector_load %arg5[%get3A_262, %get3A_263] {strides = array<i32>} : memref<128x256xf32, #tpu.memory_space<vmem>>, vector<1x16xf32>,
      %get3A_265 = vector.shape_cast %get3A_264 : vector<1x16xf32> to vector<16xf32>
      %max3A_266 = arith.maximumf %scan3A_228, %get3A_265 : vector<16xf32>
      %get3A_267 = arith.index_cast %scan3A_222 : i32 to index
      %get3A_268 = arith.constant 96 : index
      %get3A_269 = tpu.vector_load %arg5[%get3A_267, %get3A_268] {strides = array<i32>} : memref<128x256xf32, #tpu.memory_space<vmem>>, vector<1x16xf32>,
      %get3A_270 = vector.shape_cast %get3A_269 : vector<1x16xf32> to vector<16xf32>
      %max3A_271 = arith.maximumf %scan3A_229, %get3A_270 : vector<16xf32>
      %get3A_272 = arith.index_cast %scan3A_222 : i32 to index
      %get3A_273 = arith.constant 112 : index
      %get3A_274 = tpu.vector_load %arg5[%get3A_272, %get3A_273] {strides = array<i32>} : memref<128x256xf32, #tpu.memory_space<vmem>>, vector<1x16xf32>,
      %get3A_275 = vector.shape_cast %get3A_274 : vector<1x16xf32> to vector<16xf32>
      %max3A_276 = arith.maximumf %scan3A_230, %get3A_275 : vector<16xf32>
      %get3A_277 = arith.index_cast %scan3A_222 : i32 to index
      %get3A_278 = arith.constant 128 : index
      %get3A_279 = tpu.vector_load %arg5[%get3A_277, %get3A_278] {strides = array<i32>} : memref<128x256xf32, #tpu.memory_space<vmem>>, vector<1x16xf32>,
      %get3A_280 = vector.shape_cast %get3A_279 : vector<1x16xf32> to vector<16xf32>
      %max3A_281 = arith.maximumf %scan3A_231, %get3A_280 : vector<16xf32>
      %get3A_282 = arith.index_cast %scan3A_222 : i32 to index
      %get3A_283 = arith.constant 144 : index
      %get3A_284 = tpu.vector_load %arg5[%get3A_282, %get3A_283] {strides = array<i32>} : memref<128x256xf32, #tpu.memory_space<vmem>>, vector<1x16xf32>,
      %get3A_285 = vector.shape_cast %get3A_284 : vector<1x16xf32> to vector<16xf32>
      %max3A_286 = arith.maximumf %scan3A_232, %get3A_285 : vector<16xf32>
      %get3A_287 = arith.index_cast %scan3A_222 : i32 to index
      %get3A_288 = arith.constant 160 : index
      %get3A_289 = tpu.vector_load %arg5[%get3A_287, %get3A_288] {strides = array<i32>} : memref<128x256xf32, #tpu.memory_space<vmem>>, vector<1x16xf32>,
      %get3A_290 = vector.shape_cast %get3A_289 : vector<1x16xf32> to vector<16xf32>
      %max3A_291 = arith.maximumf %scan3A_233, %get3A_290 : vector<16xf32>
      %get3A_292 = arith.index_cast %scan3A_222 : i32 to index
      %get3A_293 = arith.constant 176 : index
      %get3A_294 = tpu.vector_load %arg5[%get3A_292, %get3A_293] {strides = array<i32>} : memref<128x256xf32, #tpu.memory_space<vmem>>, vector<1x16xf32>,
      %get3A_295 = vector.shape_cast %get3A_294 : vector<1x16xf32> to vector<16xf32>
      %max3A_296 = arith.maximumf %scan3A_234, %get3A_295 : vector<16xf32>
      %get3A_297 = arith.index_cast %scan3A_222 : i32 to index
      %get3A_298 = arith.constant 192 : index
      %get3A_299 = tpu.vector_load %arg5[%get3A_297, %get3A_298] {strides = array<i32>} : memref<128x256xf32, #tpu.memory_space<vmem>>, vector<1x16xf32>,
      %get3A_300 = vector.shape_cast %get3A_299 : vector<1x16xf32> to vector<16xf32>
      %max3A_301 = arith.maximumf %scan3A_235, %get3A_300 : vector<16xf32>
      %get3A_302 = arith.index_cast %scan3A_222 : i32 to index
      %get3A_303 = arith.constant 208 : index
      %get3A_304 = tpu.vector_load %arg5[%get3A_302, %get3A_303] {strides = array<i32>} : memref<128x256xf32, #tpu.memory_space<vmem>>, vector<1x16xf32>,
      %get3A_305 = vector.shape_cast %get3A_304 : vector<1x16xf32> to vector<16xf32>
      %max3A_306 = arith.maximumf %scan3A_236, %get3A_305 : vector<16xf32>
      %get3A_307 = arith.index_cast %scan3A_222 : i32 to index
      %get3A_308 = arith.constant 224 : index
      %get3A_309 = tpu.vector_load %arg5[%get3A_307, %get3A_308] {strides = array<i32>} : memref<128x256xf32, #tpu.memory_space<vmem>>, vector<1x16xf32>,
      %get3A_310 = vector.shape_cast %get3A_309 : vector<1x16xf32> to vector<16xf32>
      %max3A_311 = arith.maximumf %scan3A_237, %get3A_310 : vector<16xf32>
      %get3A_312 = arith.index_cast %scan3A_222 : i32 to index
      %get3A_313 = arith.constant 240 : index
      %get3A_314 = tpu.vector_load %arg5[%get3A_312, %get3A_313] {strides = array<i32>} : memref<128x256xf32, #tpu.memory_space<vmem>>, vector<1x16xf32>,
      %get3A_315 = vector.shape_cast %get3A_314 : vector<1x16xf32> to vector<16xf32>
      %max3A_316 = arith.maximumf %scan3A_238, %get3A_315 : vector<16xf32>
      scf.yield %max3A, %max3A_246, %max3A_251, %max3A_256, %max3A_261, %max3A_266, %max3A_271, %max3A_276, %max3A_281, %max3A_286, %max3A_291, %max3A_296, %max3A_301, %max3A_306, %max3A_311, %max3A_316 : vector<16xf32>, vector<16xf32>, vector<16xf32>, vector<16xf32>, vector<16xf32>, vector<16xf32>, vector<16xf32>, vector<16xf32>, vector<16xf32>, vector<16xf32>, vector<16xf32>, vector<16xf32>, vector<16xf32>, vector<16xf32>, vector<16xf32>, vector<16xf32>
    }
    %scan3A_90 = arith.constant 128 : i32
    %add3A_91 = arith.constant 384 : i32
    %add3A_92 = arith.addi %mul3A_34, %add3A_91 : i32
    %dma_start3A_93 = tpu.memref_slice %arg2[%add3A_92, %mul3A_32] : memref<8192x1024xf32, #tpu.memory_space<hbm>> -> memref<128x256xf32, #tpu.memory_space<hbm>>
    %dma_start3A_94 = tpu.memref_slice %arg2[%add3A_92, %mul3A_32] : memref<8192x1024xf32, #tpu.memory_space<hbm>> -> memref<128x256xf32, #tpu.memory_space<hbm>>
    tpu.enqueue_dma source(%dma_start3A_94 : memref<128x256xf32, #tpu.memory_space<hbm>>) target(%arg5 : memref<128x256xf32, #tpu.memory_space<vmem>>) target_semaphore(%arg8 : memref<!tpu.dma_semaphore, #tpu.memory_space<semaphore_mem>>)
    %dma_wait3A_95 = tpu.memref_slice %arg2[%add3A_80, %mul3A_32] : memref<8192x1024xf32, #tpu.memory_space<hbm>> -> memref<128x256xf32, #tpu.memory_space<hbm>>
    %dma_wait3A_96 = tpu.memref_slice %arg2[%add3A_80, %mul3A_32] : memref<8192x1024xf32, #tpu.memory_space<hbm>> -> memref<128x256xf32, #tpu.memory_space<hbm>>
    tpu.wait_dma2 semaphore(%arg7 : memref<!tpu.dma_semaphore, #tpu.memory_space<semaphore_mem>>) src(%dma_wait3A_96 : memref<128x256xf32, #tpu.memory_space<hbm>>) dst(%arg4 : memref<128x256xf32, #tpu.memory_space<vmem>>)
    %scan3A_97 = arith.constant 0 : i32
    %scan3A_98 = arith.constant 128 : i32
    %scan3A_99 = arith.addi %scan3A_97, %scan3A_98 : i32
    %scan3A_100 = arith.constant 1 : i32
    %scan3A_101:16 = scf.for %scan3A_222 = %scan3A_97 to %scan3A_99 step %scan3A_100 iter_args(%scan3A_223 = %scan3A_89#0, %scan3A_224 = %scan3A_89#1, %scan3A_225 = %scan3A_89#2, %scan3A_226 = %scan3A_89#3, %scan3A_227 = %scan3A_89#4, %scan3A_228 = %scan3A_89#5, %scan3A_229 = %scan3A_89#6, %scan3A_230 = %scan3A_89#7, %scan3A_231 = %scan3A_89#8, %scan3A_232 = %scan3A_89#9, %scan3A_233 = %scan3A_89#10, %scan3A_234 = %scan3A_89#11, %scan3A_235 = %scan3A_89#12, %scan3A_236 = %scan3A_89#13, %scan3A_237 = %scan3A_89#14, %scan3A_238 = %scan3A_89#15) -> (vector<16xf32>, vector<16xf32>, vector<16xf32>, vector<16xf32>, vector<16xf32>, vector<16xf32>, vector<16xf32>, vector<16xf32>, vector<16xf32>, vector<16xf32>, vector<16xf32>, vector<16xf32>, vector<16xf32>, vector<16xf32>, vector<16xf32>, vector<16xf32>)  : i32 {
      %get3A = arith.index_cast %scan3A_222 : i32 to index
      %get3A_239 = arith.constant 0 : index
      %get3A_240 = tpu.vector_load %arg4[%get3A, %get3A_239] {strides = array<i32>} : memref<128x256xf32, #tpu.memory_space<vmem>>, vector<1x16xf32>,
      %get3A_241 = vector.shape_cast %get3A_240 : vector<1x16xf32> to vector<16xf32>
      %max3A = arith.maximumf %scan3A_223, %get3A_241 : vector<16xf32>
      %get3A_242 = arith.index_cast %scan3A_222 : i32 to index
      %get3A_243 = arith.constant 16 : index
      %get3A_244 = tpu.vector_load %arg4[%get3A_242, %get3A_243] {strides = array<i32>} : memref<128x256xf32, #tpu.memory_space<vmem>>, vector<1x16xf32>,
      %get3A_245 = vector.shape_cast %get3A_244 : vector<1x16xf32> to vector<16xf32>
      %max3A_246 = arith.maximumf %scan3A_224, %get3A_245 : vector<16xf32>
      %get3A_247 = arith.index_cast %scan3A_222 : i32 to index
      %get3A_248 = arith.constant 32 : index
      %get3A_249 = tpu.vector_load %arg4[%get3A_247, %get3A_248] {strides = array<i32>} : memref<128x256xf32, #tpu.memory_space<vmem>>, vector<1x16xf32>,
      %get3A_250 = vector.shape_cast %get3A_249 : vector<1x16xf32> to vector<16xf32>
      %max3A_251 = arith.maximumf %scan3A_225, %get3A_250 : vector<16xf32>
      %get3A_252 = arith.index_cast %scan3A_222 : i32 to index
      %get3A_253 = arith.constant 48 : index
      %get3A_254 = tpu.vector_load %arg4[%get3A_252, %get3A_253] {strides = array<i32>} : memref<128x256xf32, #tpu.memory_space<vmem>>, vector<1x16xf32>,
      %get3A_255 = vector.shape_cast %get3A_254 : vector<1x16xf32> to vector<16xf32>
      %max3A_256 = arith.maximumf %scan3A_226, %get3A_255 : vector<16xf32>
      %get3A_257 = arith.index_cast %scan3A_222 : i32 to index
      %get3A_258 = arith.constant 64 : index
      %get3A_259 = tpu.vector_load %arg4[%get3A_257, %get3A_258] {strides = array<i32>} : memref<128x256xf32, #tpu.memory_space<vmem>>, vector<1x16xf32>,
      %get3A_260 = vector.shape_cast %get3A_259 : vector<1x16xf32> to vector<16xf32>
      %max3A_261 = arith.maximumf %scan3A_227, %get3A_260 : vector<16xf32>
      %get3A_262 = arith.index_cast %scan3A_222 : i32 to index
      %get3A_263 = arith.constant 80 : index
      %get3A_264 = tpu.vector_load %arg4[%get3A_262, %get3A_263] {strides = array<i32>} : memref<128x256xf32, #tpu.memory_space<vmem>>, vector<1x16xf32>,
      %get3A_265 = vector.shape_cast %get3A_264 : vector<1x16xf32> to vector<16xf32>
      %max3A_266 = arith.maximumf %scan3A_228, %get3A_265 : vector<16xf32>
      %get3A_267 = arith.index_cast %scan3A_222 : i32 to index
      %get3A_268 = arith.constant 96 : index
      %get3A_269 = tpu.vector_load %arg4[%get3A_267, %get3A_268] {strides = array<i32>} : memref<128x256xf32, #tpu.memory_space<vmem>>, vector<1x16xf32>,
      %get3A_270 = vector.shape_cast %get3A_269 : vector<1x16xf32> to vector<16xf32>
      %max3A_271 = arith.maximumf %scan3A_229, %get3A_270 : vector<16xf32>
      %get3A_272 = arith.index_cast %scan3A_222 : i32 to index
      %get3A_273 = arith.constant 112 : index
      %get3A_274 = tpu.vector_load %arg4[%get3A_272, %get3A_273] {strides = array<i32>} : memref<128x256xf32, #tpu.memory_space<vmem>>, vector<1x16xf32>,
      %get3A_275 = vector.shape_cast %get3A_274 : vector<1x16xf32> to vector<16xf32>
      %max3A_276 = arith.maximumf %scan3A_230, %get3A_275 : vector<16xf32>
      %get3A_277 = arith.index_cast %scan3A_222 : i32 to index
      %get3A_278 = arith.constant 128 : index
      %get3A_279 = tpu.vector_load %arg4[%get3A_277, %get3A_278] {strides = array<i32>} : memref<128x256xf32, #tpu.memory_space<vmem>>, vector<1x16xf32>,
      %get3A_280 = vector.shape_cast %get3A_279 : vector<1x16xf32> to vector<16xf32>
      %max3A_281 = arith.maximumf %scan3A_231, %get3A_280 : vector<16xf32>
      %get3A_282 = arith.index_cast %scan3A_222 : i32 to index
      %get3A_283 = arith.constant 144 : index
      %get3A_284 = tpu.vector_load %arg4[%get3A_282, %get3A_283] {strides = array<i32>} : memref<128x256xf32, #tpu.memory_space<vmem>>, vector<1x16xf32>,
      %get3A_285 = vector.shape_cast %get3A_284 : vector<1x16xf32> to vector<16xf32>
      %max3A_286 = arith.maximumf %scan3A_232, %get3A_285 : vector<16xf32>
      %get3A_287 = arith.index_cast %scan3A_222 : i32 to index
      %get3A_288 = arith.constant 160 : index
      %get3A_289 = tpu.vector_load %arg4[%get3A_287, %get3A_288] {strides = array<i32>} : memref<128x256xf32, #tpu.memory_space<vmem>>, vector<1x16xf32>,
      %get3A_290 = vector.shape_cast %get3A_289 : vector<1x16xf32> to vector<16xf32>
      %max3A_291 = arith.maximumf %scan3A_233, %get3A_290 : vector<16xf32>
      %get3A_292 = arith.index_cast %scan3A_222 : i32 to index
      %get3A_293 = arith.constant 176 : index
      %get3A_294 = tpu.vector_load %arg4[%get3A_292, %get3A_293] {strides = array<i32>} : memref<128x256xf32, #tpu.memory_space<vmem>>, vector<1x16xf32>,
      %get3A_295 = vector.shape_cast %get3A_294 : vector<1x16xf32> to vector<16xf32>
      %max3A_296 = arith.maximumf %scan3A_234, %get3A_295 : vector<16xf32>
      %get3A_297 = arith.index_cast %scan3A_222 : i32 to index
      %get3A_298 = arith.constant 192 : index
      %get3A_299 = tpu.vector_load %arg4[%get3A_297, %get3A_298] {strides = array<i32>} : memref<128x256xf32, #tpu.memory_space<vmem>>, vector<1x16xf32>,
      %get3A_300 = vector.shape_cast %get3A_299 : vector<1x16xf32> to vector<16xf32>
      %max3A_301 = arith.maximumf %scan3A_235, %get3A_300 : vector<16xf32>
      %get3A_302 = arith.index_cast %scan3A_222 : i32 to index
      %get3A_303 = arith.constant 208 : index
      %get3A_304 = tpu.vector_load %arg4[%get3A_302, %get3A_303] {strides = array<i32>} : memref<128x256xf32, #tpu.memory_space<vmem>>, vector<1x16xf32>,
      %get3A_305 = vector.shape_cast %get3A_304 : vector<1x16xf32> to vector<16xf32>
      %max3A_306 = arith.maximumf %scan3A_236, %get3A_305 : vector<16xf32>
      %get3A_307 = arith.index_cast %scan3A_222 : i32 to index
      %get3A_308 = arith.constant 224 : index
      %get3A_309 = tpu.vector_load %arg4[%get3A_307, %get3A_308] {strides = array<i32>} : memref<128x256xf32, #tpu.memory_space<vmem>>, vector<1x16xf32>,
      %get3A_310 = vector.shape_cast %get3A_309 : vector<1x16xf32> to vector<16xf32>
      %max3A_311 = arith.maximumf %scan3A_237, %get3A_310 : vector<16xf32>
      %get3A_312 = arith.index_cast %scan3A_222 : i32 to index
      %get3A_313 = arith.constant 240 : index
      %get3A_314 = tpu.vector_load %arg4[%get3A_312, %get3A_313] {strides = array<i32>} : memref<128x256xf32, #tpu.memory_space<vmem>>, vector<1x16xf32>,
      %get3A_315 = vector.shape_cast %get3A_314 : vector<1x16xf32> to vector<16xf32>
      %max3A_316 = arith.maximumf %scan3A_238, %get3A_315 : vector<16xf32>
      scf.yield %max3A, %max3A_246, %max3A_251, %max3A_256, %max3A_261, %max3A_266, %max3A_271, %max3A_276, %max3A_281, %max3A_286, %max3A_291, %max3A_296, %max3A_301, %max3A_306, %max3A_311, %max3A_316 : vector<16xf32>, vector<16xf32>, vector<16xf32>, vector<16xf32>, vector<16xf32>, vector<16xf32>, vector<16xf32>, vector<16xf32>, vector<16xf32>, vector<16xf32>, vector<16xf32>, vector<16xf32>, vector<16xf32>, vector<16xf32>, vector<16xf32>, vector<16xf32>
    }
    %scan3A_102 = arith.constant 128 : i32
    %add3A_103 = arith.constant 512 : i32
    %add3A_104 = arith.addi %mul3A_34, %add3A_103 : i32
    %dma_start3A_105 = tpu.memref_slice %arg2[%add3A_104, %mul3A_32] : memref<8192x1024xf32, #tpu.memory_space<hbm>> -> memref<128x256xf32, #tpu.memory_space<hbm>>
    %dma_start3A_106 = tpu.memref_slice %arg2[%add3A_104, %mul3A_32] : memref<8192x1024xf32, #tpu.memory_space<hbm>> -> memref<128x256xf32, #tpu.memory_space<hbm>>
    tpu.enqueue_dma source(%dma_start3A_106 : memref<128x256xf32, #tpu.memory_space<hbm>>) target(%arg4 : memref<128x256xf32, #tpu.memory_space<vmem>>) target_semaphore(%arg7 : memref<!tpu.dma_semaphore, #tpu.memory_space<semaphore_mem>>)
    %dma_wait3A_107 = tpu.memref_slice %arg2[%add3A_92, %mul3A_32] : memref<8192x1024xf32, #tpu.memory_space<hbm>> -> memref<128x256xf32, #tpu.memory_space<hbm>>
    %dma_wait3A_108 = tpu.memref_slice %arg2[%add3A_92, %mul3A_32] : memref<8192x1024xf32, #tpu.memory_space<hbm>> -> memref<128x256xf32, #tpu.memory_space<hbm>>
    tpu.wait_dma2 semaphore(%arg8 : memref<!tpu.dma_semaphore, #tpu.memory_space<semaphore_mem>>) src(%dma_wait3A_108 : memref<128x256xf32, #tpu.memory_space<hbm>>) dst(%arg5 : memref<128x256xf32, #tpu.memory_space<vmem>>)
    %scan3A_109 = arith.constant 0 : i32
    %scan3A_110 = arith.constant 128 : i32
    %scan3A_111 = arith.addi %scan3A_109, %scan3A_110 : i32
    %scan3A_112 = arith.constant 1 : i32
    %scan3A_113:16 = scf.for %scan3A_222 = %scan3A_109 to %scan3A_111 step %scan3A_112 iter_args(%scan3A_223 = %scan3A_101#0, %scan3A_224 = %scan3A_101#1, %scan3A_225 = %scan3A_101#2, %scan3A_226 = %scan3A_101#3, %scan3A_227 = %scan3A_101#4, %scan3A_228 = %scan3A_101#5, %scan3A_229 = %scan3A_101#6, %scan3A_230 = %scan3A_101#7, %scan3A_231 = %scan3A_101#8, %scan3A_232 = %scan3A_101#9, %scan3A_233 = %scan3A_101#10, %scan3A_234 = %scan3A_101#11, %scan3A_235 = %scan3A_101#12, %scan3A_236 = %scan3A_101#13, %scan3A_237 = %scan3A_101#14, %scan3A_238 = %scan3A_101#15) -> (vector<16xf32>, vector<16xf32>, vector<16xf32>, vector<16xf32>, vector<16xf32>, vector<16xf32>, vector<16xf32>, vector<16xf32>, vector<16xf32>, vector<16xf32>, vector<16xf32>, vector<16xf32>, vector<16xf32>, vector<16xf32>, vector<16xf32>, vector<16xf32>)  : i32 {
      %get3A = arith.index_cast %scan3A_222 : i32 to index
      %get3A_239 = arith.constant 0 : index
      %get3A_240 = tpu.vector_load %arg5[%get3A, %get3A_239] {strides = array<i32>} : memref<128x256xf32, #tpu.memory_space<vmem>>, vector<1x16xf32>,
      %get3A_241 = vector.shape_cast %get3A_240 : vector<1x16xf32> to vector<16xf32>
      %max3A = arith.maximumf %scan3A_223, %get3A_241 : vector<16xf32>
      %get3A_242 = arith.index_cast %scan3A_222 : i32 to index
      %get3A_243 = arith.constant 16 : index
      %get3A_244 = tpu.vector_load %arg5[%get3A_242, %get3A_243] {strides = array<i32>} : memref<128x256xf32, #tpu.memory_space<vmem>>, vector<1x16xf32>,
      %get3A_245 = vector.shape_cast %get3A_244 : vector<1x16xf32> to vector<16xf32>
      %max3A_246 = arith.maximumf %scan3A_224, %get3A_245 : vector<16xf32>
      %get3A_247 = arith.index_cast %scan3A_222 : i32 to index
      %get3A_248 = arith.constant 32 : index
      %get3A_249 = tpu.vector_load %arg5[%get3A_247, %get3A_248] {strides = array<i32>} : memref<128x256xf32, #tpu.memory_space<vmem>>, vector<1x16xf32>,
      %get3A_250 = vector.shape_cast %get3A_249 : vector<1x16xf32> to vector<16xf32>
      %max3A_251 = arith.maximumf %scan3A_225, %get3A_250 : vector<16xf32>
      %get3A_252 = arith.index_cast %scan3A_222 : i32 to index
      %get3A_253 = arith.constant 48 : index
      %get3A_254 = tpu.vector_load %arg5[%get3A_252, %get3A_253] {strides = array<i32>} : memref<128x256xf32, #tpu.memory_space<vmem>>, vector<1x16xf32>,
      %get3A_255 = vector.shape_cast %get3A_254 : vector<1x16xf32> to vector<16xf32>
      %max3A_256 = arith.maximumf %scan3A_226, %get3A_255 : vector<16xf32>
      %get3A_257 = arith.index_cast %scan3A_222 : i32 to index
      %get3A_258 = arith.constant 64 : index
      %get3A_259 = tpu.vector_load %arg5[%get3A_257, %get3A_258] {strides = array<i32>} : memref<128x256xf32, #tpu.memory_space<vmem>>, vector<1x16xf32>,
      %get3A_260 = vector.shape_cast %get3A_259 : vector<1x16xf32> to vector<16xf32>
      %max3A_261 = arith.maximumf %scan3A_227, %get3A_260 : vector<16xf32>
      %get3A_262 = arith.index_cast %scan3A_222 : i32 to index
      %get3A_263 = arith.constant 80 : index
      %get3A_264 = tpu.vector_load %arg5[%get3A_262, %get3A_263] {strides = array<i32>} : memref<128x256xf32, #tpu.memory_space<vmem>>, vector<1x16xf32>,
      %get3A_265 = vector.shape_cast %get3A_264 : vector<1x16xf32> to vector<16xf32>
      %max3A_266 = arith.maximumf %scan3A_228, %get3A_265 : vector<16xf32>
      %get3A_267 = arith.index_cast %scan3A_222 : i32 to index
      %get3A_268 = arith.constant 96 : index
      %get3A_269 = tpu.vector_load %arg5[%get3A_267, %get3A_268] {strides = array<i32>} : memref<128x256xf32, #tpu.memory_space<vmem>>, vector<1x16xf32>,
      %get3A_270 = vector.shape_cast %get3A_269 : vector<1x16xf32> to vector<16xf32>
      %max3A_271 = arith.maximumf %scan3A_229, %get3A_270 : vector<16xf32>
      %get3A_272 = arith.index_cast %scan3A_222 : i32 to index
      %get3A_273 = arith.constant 112 : index
      %get3A_274 = tpu.vector_load %arg5[%get3A_272, %get3A_273] {strides = array<i32>} : memref<128x256xf32, #tpu.memory_space<vmem>>, vector<1x16xf32>,
      %get3A_275 = vector.shape_cast %get3A_274 : vector<1x16xf32> to vector<16xf32>
      %max3A_276 = arith.maximumf %scan3A_230, %get3A_275 : vector<16xf32>
      %get3A_277 = arith.index_cast %scan3A_222 : i32 to index
      %get3A_278 = arith.constant 128 : index
      %get3A_279 = tpu.vector_load %arg5[%get3A_277, %get3A_278] {strides = array<i32>} : memref<128x256xf32, #tpu.memory_space<vmem>>, vector<1x16xf32>,
      %get3A_280 = vector.shape_cast %get3A_279 : vector<1x16xf32> to vector<16xf32>
      %max3A_281 = arith.maximumf %scan3A_231, %get3A_280 : vector<16xf32>
      %get3A_282 = arith.index_cast %scan3A_222 : i32 to index
      %get3A_283 = arith.constant 144 : index
      %get3A_284 = tpu.vector_load %arg5[%get3A_282, %get3A_283] {strides = array<i32>} : memref<128x256xf32, #tpu.memory_space<vmem>>, vector<1x16xf32>,
      %get3A_285 = vector.shape_cast %get3A_284 : vector<1x16xf32> to vector<16xf32>
      %max3A_286 = arith.maximumf %scan3A_232, %get3A_285 : vector<16xf32>
      %get3A_287 = arith.index_cast %scan3A_222 : i32 to index
      %get3A_288 = arith.constant 160 : index
      %get3A_289 = tpu.vector_load %arg5[%get3A_287, %get3A_288] {strides = array<i32>} : memref<128x256xf32, #tpu.memory_space<vmem>>, vector<1x16xf32>,
      %get3A_290 = vector.shape_cast %get3A_289 : vector<1x16xf32> to vector<16xf32>
      %max3A_291 = arith.maximumf %scan3A_233, %get3A_290 : vector<16xf32>
      %get3A_292 = arith.index_cast %scan3A_222 : i32 to index
      %get3A_293 = arith.constant 176 : index
      %get3A_294 = tpu.vector_load %arg5[%get3A_292, %get3A_293] {strides = array<i32>} : memref<128x256xf32, #tpu.memory_space<vmem>>, vector<1x16xf32>,
      %get3A_295 = vector.shape_cast %get3A_294 : vector<1x16xf32> to vector<16xf32>
      %max3A_296 = arith.maximumf %scan3A_234, %get3A_295 : vector<16xf32>
      %get3A_297 = arith.index_cast %scan3A_222 : i32 to index
      %get3A_298 = arith.constant 192 : index
      %get3A_299 = tpu.vector_load %arg5[%get3A_297, %get3A_298] {strides = array<i32>} : memref<128x256xf32, #tpu.memory_space<vmem>>, vector<1x16xf32>,
      %get3A_300 = vector.shape_cast %get3A_299 : vector<1x16xf32> to vector<16xf32>
      %max3A_301 = arith.maximumf %scan3A_235, %get3A_300 : vector<16xf32>
      %get3A_302 = arith.index_cast %scan3A_222 : i32 to index
      %get3A_303 = arith.constant 208 : index
      %get3A_304 = tpu.vector_load %arg5[%get3A_302, %get3A_303] {strides = array<i32>} : memref<128x256xf32, #tpu.memory_space<vmem>>, vector<1x16xf32>,
      %get3A_305 = vector.shape_cast %get3A_304 : vector<1x16xf32> to vector<16xf32>
      %max3A_306 = arith.maximumf %scan3A_236, %get3A_305 : vector<16xf32>
      %get3A_307 = arith.index_cast %scan3A_222 : i32 to index
      %get3A_308 = arith.constant 224 : index
      %get3A_309 = tpu.vector_load %arg5[%get3A_307, %get3A_308] {strides = array<i32>} : memref<128x256xf32, #tpu.memory_space<vmem>>, vector<1x16xf32>,
      %get3A_310 = vector.shape_cast %get3A_309 : vector<1x16xf32> to vector<16xf32>
      %max3A_311 = arith.maximumf %scan3A_237, %get3A_310 : vector<16xf32>
      %get3A_312 = arith.index_cast %scan3A_222 : i32 to index
      %get3A_313 = arith.constant 240 : index
      %get3A_314 = tpu.vector_load %arg5[%get3A_312, %get3A_313] {strides = array<i32>} : memref<128x256xf32, #tpu.memory_space<vmem>>, vector<1x16xf32>,
      %get3A_315 = vector.shape_cast %get3A_314 : vector<1x16xf32> to vector<16xf32>
      %max3A_316 = arith.maximumf %scan3A_238, %get3A_315 : vector<16xf32>
      scf.yield %max3A, %max3A_246, %max3A_251, %max3A_256, %max3A_261, %max3A_266, %max3A_271, %max3A_276, %max3A_281, %max3A_286, %max3A_291, %max3A_296, %max3A_301, %max3A_306, %max3A_311, %max3A_316 : vector<16xf32>, vector<16xf32>, vector<16xf32>, vector<16xf32>, vector<16xf32>, vector<16xf32>, vector<16xf32>, vector<16xf32>, vector<16xf32>, vector<16xf32>, vector<16xf32>, vector<16xf32>, vector<16xf32>, vector<16xf32>, vector<16xf32>, vector<16xf32>
    }
    %scan3A_114 = arith.constant 128 : i32
    %add3A_115 = arith.constant 640 : i32
    %add3A_116 = arith.addi %mul3A_34, %add3A_115 : i32
    %dma_start3A_117 = tpu.memref_slice %arg2[%add3A_116, %mul3A_32] : memref<8192x1024xf32, #tpu.memory_space<hbm>> -> memref<128x256xf32, #tpu.memory_space<hbm>>
    %dma_start3A_118 = tpu.memref_slice %arg2[%add3A_116, %mul3A_32] : memref<8192x1024xf32, #tpu.memory_space<hbm>> -> memref<128x256xf32, #tpu.memory_space<hbm>>
    tpu.enqueue_dma source(%dma_start3A_118 : memref<128x256xf32, #tpu.memory_space<hbm>>) target(%arg5 : memref<128x256xf32, #tpu.memory_space<vmem>>) target_semaphore(%arg8 : memref<!tpu.dma_semaphore, #tpu.memory_space<semaphore_mem>>)
    %dma_wait3A_119 = tpu.memref_slice %arg2[%add3A_104, %mul3A_32] : memref<8192x1024xf32, #tpu.memory_space<hbm>> -> memref<128x256xf32, #tpu.memory_space<hbm>>
    %dma_wait3A_120 = tpu.memref_slice %arg2[%add3A_104, %mul3A_32] : memref<8192x1024xf32, #tpu.memory_space<hbm>> -> memref<128x256xf32, #tpu.memory_space<hbm>>
    tpu.wait_dma2 semaphore(%arg7 : memref<!tpu.dma_semaphore, #tpu.memory_space<semaphore_mem>>) src(%dma_wait3A_120 : memref<128x256xf32, #tpu.memory_space<hbm>>) dst(%arg4 : memref<128x256xf32, #tpu.memory_space<vmem>>)
    %scan3A_121 = arith.constant 0 : i32
    %scan3A_122 = arith.constant 128 : i32
    %scan3A_123 = arith.addi %scan3A_121, %scan3A_122 : i32
    %scan3A_124 = arith.constant 1 : i32
    %scan3A_125:16 = scf.for %scan3A_222 = %scan3A_121 to %scan3A_123 step %scan3A_124 iter_args(%scan3A_223 = %scan3A_113#0, %scan3A_224 = %scan3A_113#1, %scan3A_225 = %scan3A_113#2, %scan3A_226 = %scan3A_113#3, %scan3A_227 = %scan3A_113#4, %scan3A_228 = %scan3A_113#5, %scan3A_229 = %scan3A_113#6, %scan3A_230 = %scan3A_113#7, %scan3A_231 = %scan3A_113#8, %scan3A_232 = %scan3A_113#9, %scan3A_233 = %scan3A_113#10, %scan3A_234 = %scan3A_113#11, %scan3A_235 = %scan3A_113#12, %scan3A_236 = %scan3A_113#13, %scan3A_237 = %scan3A_113#14, %scan3A_238 = %scan3A_113#15) -> (vector<16xf32>, vector<16xf32>, vector<16xf32>, vector<16xf32>, vector<16xf32>, vector<16xf32>, vector<16xf32>, vector<16xf32>, vector<16xf32>, vector<16xf32>, vector<16xf32>, vector<16xf32>, vector<16xf32>, vector<16xf32>, vector<16xf32>, vector<16xf32>)  : i32 {
      %get3A = arith.index_cast %scan3A_222 : i32 to index
      %get3A_239 = arith.constant 0 : index
      %get3A_240 = tpu.vector_load %arg4[%get3A, %get3A_239] {strides = array<i32>} : memref<128x256xf32, #tpu.memory_space<vmem>>, vector<1x16xf32>,
      %get3A_241 = vector.shape_cast %get3A_240 : vector<1x16xf32> to vector<16xf32>
      %max3A = arith.maximumf %scan3A_223, %get3A_241 : vector<16xf32>
      %get3A_242 = arith.index_cast %scan3A_222 : i32 to index
      %get3A_243 = arith.constant 16 : index
      %get3A_244 = tpu.vector_load %arg4[%get3A_242, %get3A_243] {strides = array<i32>} : memref<128x256xf32, #tpu.memory_space<vmem>>, vector<1x16xf32>,
      %get3A_245 = vector.shape_cast %get3A_244 : vector<1x16xf32> to vector<16xf32>
      %max3A_246 = arith.maximumf %scan3A_224, %get3A_245 : vector<16xf32>
      %get3A_247 = arith.index_cast %scan3A_222 : i32 to index
      %get3A_248 = arith.constant 32 : index
      %get3A_249 = tpu.vector_load %arg4[%get3A_247, %get3A_248] {strides = array<i32>} : memref<128x256xf32, #tpu.memory_space<vmem>>, vector<1x16xf32>,
      %get3A_250 = vector.shape_cast %get3A_249 : vector<1x16xf32> to vector<16xf32>
      %max3A_251 = arith.maximumf %scan3A_225, %get3A_250 : vector<16xf32>
      %get3A_252 = arith.index_cast %scan3A_222 : i32 to index
      %get3A_253 = arith.constant 48 : index
      %get3A_254 = tpu.vector_load %arg4[%get3A_252, %get3A_253] {strides = array<i32>} : memref<128x256xf32, #tpu.memory_space<vmem>>, vector<1x16xf32>,
      %get3A_255 = vector.shape_cast %get3A_254 : vector<1x16xf32> to vector<16xf32>
      %max3A_256 = arith.maximumf %scan3A_226, %get3A_255 : vector<16xf32>
      %get3A_257 = arith.index_cast %scan3A_222 : i32 to index
      %get3A_258 = arith.constant 64 : index
      %get3A_259 = tpu.vector_load %arg4[%get3A_257, %get3A_258] {strides = array<i32>} : memref<128x256xf32, #tpu.memory_space<vmem>>, vector<1x16xf32>,
      %get3A_260 = vector.shape_cast %get3A_259 : vector<1x16xf32> to vector<16xf32>
      %max3A_261 = arith.maximumf %scan3A_227, %get3A_260 : vector<16xf32>
      %get3A_262 = arith.index_cast %scan3A_222 : i32 to index
      %get3A_263 = arith.constant 80 : index
      %get3A_264 = tpu.vector_load %arg4[%get3A_262, %get3A_263] {strides = array<i32>} : memref<128x256xf32, #tpu.memory_space<vmem>>, vector<1x16xf32>,
      %get3A_265 = vector.shape_cast %get3A_264 : vector<1x16xf32> to vector<16xf32>
      %max3A_266 = arith.maximumf %scan3A_228, %get3A_265 : vector<16xf32>
      %get3A_267 = arith.index_cast %scan3A_222 : i32 to index
      %get3A_268 = arith.constant 96 : index
      %get3A_269 = tpu.vector_load %arg4[%get3A_267, %get3A_268] {strides = array<i32>} : memref<128x256xf32, #tpu.memory_space<vmem>>, vector<1x16xf32>,
      %get3A_270 = vector.shape_cast %get3A_269 : vector<1x16xf32> to vector<16xf32>
      %max3A_271 = arith.maximumf %scan3A_229, %get3A_270 : vector<16xf32>
      %get3A_272 = arith.index_cast %scan3A_222 : i32 to index
      %get3A_273 = arith.constant 112 : index
      %get3A_274 = tpu.vector_load %arg4[%get3A_272, %get3A_273] {strides = array<i32>} : memref<128x256xf32, #tpu.memory_space<vmem>>, vector<1x16xf32>,
      %get3A_275 = vector.shape_cast %get3A_274 : vector<1x16xf32> to vector<16xf32>
      %max3A_276 = arith.maximumf %scan3A_230, %get3A_275 : vector<16xf32>
      %get3A_277 = arith.index_cast %scan3A_222 : i32 to index
      %get3A_278 = arith.constant 128 : index
      %get3A_279 = tpu.vector_load %arg4[%get3A_277, %get3A_278] {strides = array<i32>} : memref<128x256xf32, #tpu.memory_space<vmem>>, vector<1x16xf32>,
      %get3A_280 = vector.shape_cast %get3A_279 : vector<1x16xf32> to vector<16xf32>
      %max3A_281 = arith.maximumf %scan3A_231, %get3A_280 : vector<16xf32>
      %get3A_282 = arith.index_cast %scan3A_222 : i32 to index
      %get3A_283 = arith.constant 144 : index
      %get3A_284 = tpu.vector_load %arg4[%get3A_282, %get3A_283] {strides = array<i32>} : memref<128x256xf32, #tpu.memory_space<vmem>>, vector<1x16xf32>,
      %get3A_285 = vector.shape_cast %get3A_284 : vector<1x16xf32> to vector<16xf32>
      %max3A_286 = arith.maximumf %scan3A_232, %get3A_285 : vector<16xf32>
      %get3A_287 = arith.index_cast %scan3A_222 : i32 to index
      %get3A_288 = arith.constant 160 : index
      %get3A_289 = tpu.vector_load %arg4[%get3A_287, %get3A_288] {strides = array<i32>} : memref<128x256xf32, #tpu.memory_space<vmem>>, vector<1x16xf32>,
      %get3A_290 = vector.shape_cast %get3A_289 : vector<1x16xf32> to vector<16xf32>
      %max3A_291 = arith.maximumf %scan3A_233, %get3A_290 : vector<16xf32>
      %get3A_292 = arith.index_cast %scan3A_222 : i32 to index
      %get3A_293 = arith.constant 176 : index
      %get3A_294 = tpu.vector_load %arg4[%get3A_292, %get3A_293] {strides = array<i32>} : memref<128x256xf32, #tpu.memory_space<vmem>>, vector<1x16xf32>,
      %get3A_295 = vector.shape_cast %get3A_294 : vector<1x16xf32> to vector<16xf32>
      %max3A_296 = arith.maximumf %scan3A_234, %get3A_295 : vector<16xf32>
      %get3A_297 = arith.index_cast %scan3A_222 : i32 to index
      %get3A_298 = arith.constant 192 : index
      %get3A_299 = tpu.vector_load %arg4[%get3A_297, %get3A_298] {strides = array<i32>} : memref<128x256xf32, #tpu.memory_space<vmem>>, vector<1x16xf32>,
      %get3A_300 = vector.shape_cast %get3A_299 : vector<1x16xf32> to vector<16xf32>
      %max3A_301 = arith.maximumf %scan3A_235, %get3A_300 : vector<16xf32>
      %get3A_302 = arith.index_cast %scan3A_222 : i32 to index
      %get3A_303 = arith.constant 208 : index
      %get3A_304 = tpu.vector_load %arg4[%get3A_302, %get3A_303] {strides = array<i32>} : memref<128x256xf32, #tpu.memory_space<vmem>>, vector<1x16xf32>,
      %get3A_305 = vector.shape_cast %get3A_304 : vector<1x16xf32> to vector<16xf32>
      %max3A_306 = arith.maximumf %scan3A_236, %get3A_305 : vector<16xf32>
      %get3A_307 = arith.index_cast %scan3A_222 : i32 to index
      %get3A_308 = arith.constant 224 : index
      %get3A_309 = tpu.vector_load %arg4[%get3A_307, %get3A_308] {strides = array<i32>} : memref<128x256xf32, #tpu.memory_space<vmem>>, vector<1x16xf32>,
      %get3A_310 = vector.shape_cast %get3A_309 : vector<1x16xf32> to vector<16xf32>
      %max3A_311 = arith.maximumf %scan3A_237, %get3A_310 : vector<16xf32>
      %get3A_312 = arith.index_cast %scan3A_222 : i32 to index
      %get3A_313 = arith.constant 240 : index
      %get3A_314 = tpu.vector_load %arg4[%get3A_312, %get3A_313] {strides = array<i32>} : memref<128x256xf32, #tpu.memory_space<vmem>>, vector<1x16xf32>,
      %get3A_315 = vector.shape_cast %get3A_314 : vector<1x16xf32> to vector<16xf32>
      %max3A_316 = arith.maximumf %scan3A_238, %get3A_315 : vector<16xf32>
      scf.yield %max3A, %max3A_246, %max3A_251, %max3A_256, %max3A_261, %max3A_266, %max3A_271, %max3A_276, %max3A_281, %max3A_286, %max3A_291, %max3A_296, %max3A_301, %max3A_306, %max3A_311, %max3A_316 : vector<16xf32>, vector<16xf32>, vector<16xf32>, vector<16xf32>, vector<16xf32>, vector<16xf32>, vector<16xf32>, vector<16xf32>, vector<16xf32>, vector<16xf32>, vector<16xf32>, vector<16xf32>, vector<16xf32>, vector<16xf32>, vector<16xf32>, vector<16xf32>
    }
    %scan3A_126 = arith.constant 128 : i32
    %add3A_127 = arith.constant 768 : i32
    %add3A_128 = arith.addi %mul3A_34, %add3A_127 : i32
    %dma_start3A_129 = tpu.memref_slice %arg2[%add3A_128, %mul3A_32] : memref<8192x1024xf32, #tpu.memory_space<hbm>> -> memref<128x256xf32, #tpu.memory_space<hbm>>
    %dma_start3A_130 = tpu.memref_slice %arg2[%add3A_128, %mul3A_32] : memref<8192x1024xf32, #tpu.memory_space<hbm>> -> memref<128x256xf32, #tpu.memory_space<hbm>>
    tpu.enqueue_dma source(%dma_start3A_130 : memref<128x256xf32, #tpu.memory_space<hbm>>) target(%arg4 : memref<128x256xf32, #tpu.memory_space<vmem>>) target_semaphore(%arg7 : memref<!tpu.dma_semaphore, #tpu.memory_space<semaphore_mem>>)
    %dma_wait3A_131 = tpu.memref_slice %arg2[%add3A_116, %mul3A_32] : memref<8192x1024xf32, #tpu.memory_space<hbm>> -> memref<128x256xf32, #tpu.memory_space<hbm>>
    %dma_wait3A_132 = tpu.memref_slice %arg2[%add3A_116, %mul3A_32] : memref<8192x1024xf32, #tpu.memory_space<hbm>> -> memref<128x256xf32, #tpu.memory_space<hbm>>
    tpu.wait_dma2 semaphore(%arg8 : memref<!tpu.dma_semaphore, #tpu.memory_space<semaphore_mem>>) src(%dma_wait3A_132 : memref<128x256xf32, #tpu.memory_space<hbm>>) dst(%arg5 : memref<128x256xf32, #tpu.memory_space<vmem>>)
    %scan3A_133 = arith.constant 0 : i32
    %scan3A_134 = arith.constant 128 : i32
    %scan3A_135 = arith.addi %scan3A_133, %scan3A_134 : i32
    %scan3A_136 = arith.constant 1 : i32
    %scan3A_137:16 = scf.for %scan3A_222 = %scan3A_133 to %scan3A_135 step %scan3A_136 iter_args(%scan3A_223 = %scan3A_125#0, %scan3A_224 = %scan3A_125#1, %scan3A_225 = %scan3A_125#2, %scan3A_226 = %scan3A_125#3, %scan3A_227 = %scan3A_125#4, %scan3A_228 = %scan3A_125#5, %scan3A_229 = %scan3A_125#6, %scan3A_230 = %scan3A_125#7, %scan3A_231 = %scan3A_125#8, %scan3A_232 = %scan3A_125#9, %scan3A_233 = %scan3A_125#10, %scan3A_234 = %scan3A_125#11, %scan3A_235 = %scan3A_125#12, %scan3A_236 = %scan3A_125#13, %scan3A_237 = %scan3A_125#14, %scan3A_238 = %scan3A_125#15) -> (vector<16xf32>, vector<16xf32>, vector<16xf32>, vector<16xf32>, vector<16xf32>, vector<16xf32>, vector<16xf32>, vector<16xf32>, vector<16xf32>, vector<16xf32>, vector<16xf32>, vector<16xf32>, vector<16xf32>, vector<16xf32>, vector<16xf32>, vector<16xf32>)  : i32 {
      %get3A = arith.index_cast %scan3A_222 : i32 to index
      %get3A_239 = arith.constant 0 : index
      %get3A_240 = tpu.vector_load %arg5[%get3A, %get3A_239] {strides = array<i32>} : memref<128x256xf32, #tpu.memory_space<vmem>>, vector<1x16xf32>,
      %get3A_241 = vector.shape_cast %get3A_240 : vector<1x16xf32> to vector<16xf32>
      %max3A = arith.maximumf %scan3A_223, %get3A_241 : vector<16xf32>
      %get3A_242 = arith.index_cast %scan3A_222 : i32 to index
      %get3A_243 = arith.constant 16 : index
      %get3A_244 = tpu.vector_load %arg5[%get3A_242, %get3A_243] {strides = array<i32>} : memref<128x256xf32, #tpu.memory_space<vmem>>, vector<1x16xf32>,
      %get3A_245 = vector.shape_cast %get3A_244 : vector<1x16xf32> to vector<16xf32>
      %max3A_246 = arith.maximumf %scan3A_224, %get3A_245 : vector<16xf32>
      %get3A_247 = arith.index_cast %scan3A_222 : i32 to index
      %get3A_248 = arith.constant 32 : index
      %get3A_249 = tpu.vector_load %arg5[%get3A_247, %get3A_248] {strides = array<i32>} : memref<128x256xf32, #tpu.memory_space<vmem>>, vector<1x16xf32>,
      %get3A_250 = vector.shape_cast %get3A_249 : vector<1x16xf32> to vector<16xf32>
      %max3A_251 = arith.maximumf %scan3A_225, %get3A_250 : vector<16xf32>
      %get3A_252 = arith.index_cast %scan3A_222 : i32 to index
      %get3A_253 = arith.constant 48 : index
      %get3A_254 = tpu.vector_load %arg5[%get3A_252, %get3A_253] {strides = array<i32>} : memref<128x256xf32, #tpu.memory_space<vmem>>, vector<1x16xf32>,
      %get3A_255 = vector.shape_cast %get3A_254 : vector<1x16xf32> to vector<16xf32>
      %max3A_256 = arith.maximumf %scan3A_226, %get3A_255 : vector<16xf32>
      %get3A_257 = arith.index_cast %scan3A_222 : i32 to index
      %get3A_258 = arith.constant 64 : index
      %get3A_259 = tpu.vector_load %arg5[%get3A_257, %get3A_258] {strides = array<i32>} : memref<128x256xf32, #tpu.memory_space<vmem>>, vector<1x16xf32>,
      %get3A_260 = vector.shape_cast %get3A_259 : vector<1x16xf32> to vector<16xf32>
      %max3A_261 = arith.maximumf %scan3A_227, %get3A_260 : vector<16xf32>
      %get3A_262 = arith.index_cast %scan3A_222 : i32 to index
      %get3A_263 = arith.constant 80 : index
      %get3A_264 = tpu.vector_load %arg5[%get3A_262, %get3A_263] {strides = array<i32>} : memref<128x256xf32, #tpu.memory_space<vmem>>, vector<1x16xf32>,
      %get3A_265 = vector.shape_cast %get3A_264 : vector<1x16xf32> to vector<16xf32>
      %max3A_266 = arith.maximumf %scan3A_228, %get3A_265 : vector<16xf32>
      %get3A_267 = arith.index_cast %scan3A_222 : i32 to index
      %get3A_268 = arith.constant 96 : index
      %get3A_269 = tpu.vector_load %arg5[%get3A_267, %get3A_268] {strides = array<i32>} : memref<128x256xf32, #tpu.memory_space<vmem>>, vector<1x16xf32>,
      %get3A_270 = vector.shape_cast %get3A_269 : vector<1x16xf32> to vector<16xf32>
      %max3A_271 = arith.maximumf %scan3A_229, %get3A_270 : vector<16xf32>
      %get3A_272 = arith.index_cast %scan3A_222 : i32 to index
      %get3A_273 = arith.constant 112 : index
      %get3A_274 = tpu.vector_load %arg5[%get3A_272, %get3A_273] {strides = array<i32>} : memref<128x256xf32, #tpu.memory_space<vmem>>, vector<1x16xf32>,
      %get3A_275 = vector.shape_cast %get3A_274 : vector<1x16xf32> to vector<16xf32>
      %max3A_276 = arith.maximumf %scan3A_230, %get3A_275 : vector<16xf32>
      %get3A_277 = arith.index_cast %scan3A_222 : i32 to index
      %get3A_278 = arith.constant 128 : index
      %get3A_279 = tpu.vector_load %arg5[%get3A_277, %get3A_278] {strides = array<i32>} : memref<128x256xf32, #tpu.memory_space<vmem>>, vector<1x16xf32>,
      %get3A_280 = vector.shape_cast %get3A_279 : vector<1x16xf32> to vector<16xf32>
      %max3A_281 = arith.maximumf %scan3A_231, %get3A_280 : vector<16xf32>
      %get3A_282 = arith.index_cast %scan3A_222 : i32 to index
      %get3A_283 = arith.constant 144 : index
      %get3A_284 = tpu.vector_load %arg5[%get3A_282, %get3A_283] {strides = array<i32>} : memref<128x256xf32, #tpu.memory_space<vmem>>, vector<1x16xf32>,
      %get3A_285 = vector.shape_cast %get3A_284 : vector<1x16xf32> to vector<16xf32>
      %max3A_286 = arith.maximumf %scan3A_232, %get3A_285 : vector<16xf32>
      %get3A_287 = arith.index_cast %scan3A_222 : i32 to index
      %get3A_288 = arith.constant 160 : index
      %get3A_289 = tpu.vector_load %arg5[%get3A_287, %get3A_288] {strides = array<i32>} : memref<128x256xf32, #tpu.memory_space<vmem>>, vector<1x16xf32>,
      %get3A_290 = vector.shape_cast %get3A_289 : vector<1x16xf32> to vector<16xf32>
      %max3A_291 = arith.maximumf %scan3A_233, %get3A_290 : vector<16xf32>
      %get3A_292 = arith.index_cast %scan3A_222 : i32 to index
      %get3A_293 = arith.constant 176 : index
      %get3A_294 = tpu.vector_load %arg5[%get3A_292, %get3A_293] {strides = array<i32>} : memref<128x256xf32, #tpu.memory_space<vmem>>, vector<1x16xf32>,
      %get3A_295 = vector.shape_cast %get3A_294 : vector<1x16xf32> to vector<16xf32>
      %max3A_296 = arith.maximumf %scan3A_234, %get3A_295 : vector<16xf32>
      %get3A_297 = arith.index_cast %scan3A_222 : i32 to index
      %get3A_298 = arith.constant 192 : index
      %get3A_299 = tpu.vector_load %arg5[%get3A_297, %get3A_298] {strides = array<i32>} : memref<128x256xf32, #tpu.memory_space<vmem>>, vector<1x16xf32>,
      %get3A_300 = vector.shape_cast %get3A_299 : vector<1x16xf32> to vector<16xf32>
      %max3A_301 = arith.maximumf %scan3A_235, %get3A_300 : vector<16xf32>
      %get3A_302 = arith.index_cast %scan3A_222 : i32 to index
      %get3A_303 = arith.constant 208 : index
      %get3A_304 = tpu.vector_load %arg5[%get3A_302, %get3A_303] {strides = array<i32>} : memref<128x256xf32, #tpu.memory_space<vmem>>, vector<1x16xf32>,
      %get3A_305 = vector.shape_cast %get3A_304 : vector<1x16xf32> to vector<16xf32>
      %max3A_306 = arith.maximumf %scan3A_236, %get3A_305 : vector<16xf32>
      %get3A_307 = arith.index_cast %scan3A_222 : i32 to index
      %get3A_308 = arith.constant 224 : index
      %get3A_309 = tpu.vector_load %arg5[%get3A_307, %get3A_308] {strides = array<i32>} : memref<128x256xf32, #tpu.memory_space<vmem>>, vector<1x16xf32>,
      %get3A_310 = vector.shape_cast %get3A_309 : vector<1x16xf32> to vector<16xf32>
      %max3A_311 = arith.maximumf %scan3A_237, %get3A_310 : vector<16xf32>
      %get3A_312 = arith.index_cast %scan3A_222 : i32 to index
      %get3A_313 = arith.constant 240 : index
      %get3A_314 = tpu.vector_load %arg5[%get3A_312, %get3A_313] {strides = array<i32>} : memref<128x256xf32, #tpu.memory_space<vmem>>, vector<1x16xf32>,
      %get3A_315 = vector.shape_cast %get3A_314 : vector<1x16xf32> to vector<16xf32>
      %max3A_316 = arith.maximumf %scan3A_238, %get3A_315 : vector<16xf32>
      scf.yield %max3A, %max3A_246, %max3A_251, %max3A_256, %max3A_261, %max3A_266, %max3A_271, %max3A_276, %max3A_281, %max3A_286, %max3A_291, %max3A_296, %max3A_301, %max3A_306, %max3A_311, %max3A_316 : vector<16xf32>, vector<16xf32>, vector<16xf32>, vector<16xf32>, vector<16xf32>, vector<16xf32>, vector<16xf32>, vector<16xf32>, vector<16xf32>, vector<16xf32>, vector<16xf32>, vector<16xf32>, vector<16xf32>, vector<16xf32>, vector<16xf32>, vector<16xf32>
    }
    %scan3A_138 = arith.constant 128 : i32
    %add3A_139 = arith.constant 896 : i32
    %add3A_140 = arith.addi %mul3A_34, %add3A_139 : i32
    %dma_start3A_141 = tpu.memref_slice %arg2[%add3A_140, %mul3A_32] : memref<8192x1024xf32, #tpu.memory_space<hbm>> -> memref<128x256xf32, #tpu.memory_space<hbm>>
    %dma_start3A_142 = tpu.memref_slice %arg2[%add3A_140, %mul3A_32] : memref<8192x1024xf32, #tpu.memory_space<hbm>> -> memref<128x256xf32, #tpu.memory_space<hbm>>
    tpu.enqueue_dma source(%dma_start3A_142 : memref<128x256xf32, #tpu.memory_space<hbm>>) target(%arg5 : memref<128x256xf32, #tpu.memory_space<vmem>>) target_semaphore(%arg8 : memref<!tpu.dma_semaphore, #tpu.memory_space<semaphore_mem>>)
    %dma_wait3A_143 = tpu.memref_slice %arg2[%add3A_128, %mul3A_32] : memref<8192x1024xf32, #tpu.memory_space<hbm>> -> memref<128x256xf32, #tpu.memory_space<hbm>>
    %dma_wait3A_144 = tpu.memref_slice %arg2[%add3A_128, %mul3A_32] : memref<8192x1024xf32, #tpu.memory_space<hbm>> -> memref<128x256xf32, #tpu.memory_space<hbm>>
    tpu.wait_dma2 semaphore(%arg7 : memref<!tpu.dma_semaphore, #tpu.memory_space<semaphore_mem>>) src(%dma_wait3A_144 : memref<128x256xf32, #tpu.memory_space<hbm>>) dst(%arg4 : memref<128x256xf32, #tpu.memory_space<vmem>>)
    %scan3A_145 = arith.constant 0 : i32
    %scan3A_146 = arith.constant 128 : i32
    %scan3A_147 = arith.addi %scan3A_145, %scan3A_146 : i32
    %scan3A_148 = arith.constant 1 : i32
    %scan3A_149:16 = scf.for %scan3A_222 = %scan3A_145 to %scan3A_147 step %scan3A_148 iter_args(%scan3A_223 = %scan3A_137#0, %scan3A_224 = %scan3A_137#1, %scan3A_225 = %scan3A_137#2, %scan3A_226 = %scan3A_137#3, %scan3A_227 = %scan3A_137#4, %scan3A_228 = %scan3A_137#5, %scan3A_229 = %scan3A_137#6, %scan3A_230 = %scan3A_137#7, %scan3A_231 = %scan3A_137#8, %scan3A_232 = %scan3A_137#9, %scan3A_233 = %scan3A_137#10, %scan3A_234 = %scan3A_137#11, %scan3A_235 = %scan3A_137#12, %scan3A_236 = %scan3A_137#13, %scan3A_237 = %scan3A_137#14, %scan3A_238 = %scan3A_137#15) -> (vector<16xf32>, vector<16xf32>, vector<16xf32>, vector<16xf32>, vector<16xf32>, vector<16xf32>, vector<16xf32>, vector<16xf32>, vector<16xf32>, vector<16xf32>, vector<16xf32>, vector<16xf32>, vector<16xf32>, vector<16xf32>, vector<16xf32>, vector<16xf32>)  : i32 {
      %get3A = arith.index_cast %scan3A_222 : i32 to index
      %get3A_239 = arith.constant 0 : index
      %get3A_240 = tpu.vector_load %arg4[%get3A, %get3A_239] {strides = array<i32>} : memref<128x256xf32, #tpu.memory_space<vmem>>, vector<1x16xf32>,
      %get3A_241 = vector.shape_cast %get3A_240 : vector<1x16xf32> to vector<16xf32>
      %max3A = arith.maximumf %scan3A_223, %get3A_241 : vector<16xf32>
      %get3A_242 = arith.index_cast %scan3A_222 : i32 to index
      %get3A_243 = arith.constant 16 : index
      %get3A_244 = tpu.vector_load %arg4[%get3A_242, %get3A_243] {strides = array<i32>} : memref<128x256xf32, #tpu.memory_space<vmem>>, vector<1x16xf32>,
      %get3A_245 = vector.shape_cast %get3A_244 : vector<1x16xf32> to vector<16xf32>
      %max3A_246 = arith.maximumf %scan3A_224, %get3A_245 : vector<16xf32>
      %get3A_247 = arith.index_cast %scan3A_222 : i32 to index
      %get3A_248 = arith.constant 32 : index
      %get3A_249 = tpu.vector_load %arg4[%get3A_247, %get3A_248] {strides = array<i32>} : memref<128x256xf32, #tpu.memory_space<vmem>>, vector<1x16xf32>,
      %get3A_250 = vector.shape_cast %get3A_249 : vector<1x16xf32> to vector<16xf32>
      %max3A_251 = arith.maximumf %scan3A_225, %get3A_250 : vector<16xf32>
      %get3A_252 = arith.index_cast %scan3A_222 : i32 to index
      %get3A_253 = arith.constant 48 : index
      %get3A_254 = tpu.vector_load %arg4[%get3A_252, %get3A_253] {strides = array<i32>} : memref<128x256xf32, #tpu.memory_space<vmem>>, vector<1x16xf32>,
      %get3A_255 = vector.shape_cast %get3A_254 : vector<1x16xf32> to vector<16xf32>
      %max3A_256 = arith.maximumf %scan3A_226, %get3A_255 : vector<16xf32>
      %get3A_257 = arith.index_cast %scan3A_222 : i32 to index
      %get3A_258 = arith.constant 64 : index
      %get3A_259 = tpu.vector_load %arg4[%get3A_257, %get3A_258] {strides = array<i32>} : memref<128x256xf32, #tpu.memory_space<vmem>>, vector<1x16xf32>,
      %get3A_260 = vector.shape_cast %get3A_259 : vector<1x16xf32> to vector<16xf32>
      %max3A_261 = arith.maximumf %scan3A_227, %get3A_260 : vector<16xf32>
      %get3A_262 = arith.index_cast %scan3A_222 : i32 to index
      %get3A_263 = arith.constant 80 : index
      %get3A_264 = tpu.vector_load %arg4[%get3A_262, %get3A_263] {strides = array<i32>} : memref<128x256xf32, #tpu.memory_space<vmem>>, vector<1x16xf32>,
      %get3A_265 = vector.shape_cast %get3A_264 : vector<1x16xf32> to vector<16xf32>
      %max3A_266 = arith.maximumf %scan3A_228, %get3A_265 : vector<16xf32>
      %get3A_267 = arith.index_cast %scan3A_222 : i32 to index
      %get3A_268 = arith.constant 96 : index
      %get3A_269 = tpu.vector_load %arg4[%get3A_267, %get3A_268] {strides = array<i32>} : memref<128x256xf32, #tpu.memory_space<vmem>>, vector<1x16xf32>,
      %get3A_270 = vector.shape_cast %get3A_269 : vector<1x16xf32> to vector<16xf32>
      %max3A_271 = arith.maximumf %scan3A_229, %get3A_270 : vector<16xf32>
      %get3A_272 = arith.index_cast %scan3A_222 : i32 to index
      %get3A_273 = arith.constant 112 : index
      %get3A_274 = tpu.vector_load %arg4[%get3A_272, %get3A_273] {strides = array<i32>} : memref<128x256xf32, #tpu.memory_space<vmem>>, vector<1x16xf32>,
      %get3A_275 = vector.shape_cast %get3A_274 : vector<1x16xf32> to vector<16xf32>
      %max3A_276 = arith.maximumf %scan3A_230, %get3A_275 : vector<16xf32>
      %get3A_277 = arith.index_cast %scan3A_222 : i32 to index
      %get3A_278 = arith.constant 128 : index
      %get3A_279 = tpu.vector_load %arg4[%get3A_277, %get3A_278] {strides = array<i32>} : memref<128x256xf32, #tpu.memory_space<vmem>>, vector<1x16xf32>,
      %get3A_280 = vector.shape_cast %get3A_279 : vector<1x16xf32> to vector<16xf32>
      %max3A_281 = arith.maximumf %scan3A_231, %get3A_280 : vector<16xf32>
      %get3A_282 = arith.index_cast %scan3A_222 : i32 to index
      %get3A_283 = arith.constant 144 : index
      %get3A_284 = tpu.vector_load %arg4[%get3A_282, %get3A_283] {strides = array<i32>} : memref<128x256xf32, #tpu.memory_space<vmem>>, vector<1x16xf32>,
      %get3A_285 = vector.shape_cast %get3A_284 : vector<1x16xf32> to vector<16xf32>
      %max3A_286 = arith.maximumf %scan3A_232, %get3A_285 : vector<16xf32>
      %get3A_287 = arith.index_cast %scan3A_222 : i32 to index
      %get3A_288 = arith.constant 160 : index
      %get3A_289 = tpu.vector_load %arg4[%get3A_287, %get3A_288] {strides = array<i32>} : memref<128x256xf32, #tpu.memory_space<vmem>>, vector<1x16xf32>,
      %get3A_290 = vector.shape_cast %get3A_289 : vector<1x16xf32> to vector<16xf32>
      %max3A_291 = arith.maximumf %scan3A_233, %get3A_290 : vector<16xf32>
      %get3A_292 = arith.index_cast %scan3A_222 : i32 to index
      %get3A_293 = arith.constant 176 : index
      %get3A_294 = tpu.vector_load %arg4[%get3A_292, %get3A_293] {strides = array<i32>} : memref<128x256xf32, #tpu.memory_space<vmem>>, vector<1x16xf32>,
      %get3A_295 = vector.shape_cast %get3A_294 : vector<1x16xf32> to vector<16xf32>
      %max3A_296 = arith.maximumf %scan3A_234, %get3A_295 : vector<16xf32>
      %get3A_297 = arith.index_cast %scan3A_222 : i32 to index
      %get3A_298 = arith.constant 192 : index
      %get3A_299 = tpu.vector_load %arg4[%get3A_297, %get3A_298] {strides = array<i32>} : memref<128x256xf32, #tpu.memory_space<vmem>>, vector<1x16xf32>,
      %get3A_300 = vector.shape_cast %get3A_299 : vector<1x16xf32> to vector<16xf32>
      %max3A_301 = arith.maximumf %scan3A_235, %get3A_300 : vector<16xf32>
      %get3A_302 = arith.index_cast %scan3A_222 : i32 to index
      %get3A_303 = arith.constant 208 : index
      %get3A_304 = tpu.vector_load %arg4[%get3A_302, %get3A_303] {strides = array<i32>} : memref<128x256xf32, #tpu.memory_space<vmem>>, vector<1x16xf32>,
      %get3A_305 = vector.shape_cast %get3A_304 : vector<1x16xf32> to vector<16xf32>
      %max3A_306 = arith.maximumf %scan3A_236, %get3A_305 : vector<16xf32>
      %get3A_307 = arith.index_cast %scan3A_222 : i32 to index
      %get3A_308 = arith.constant 224 : index
      %get3A_309 = tpu.vector_load %arg4[%get3A_307, %get3A_308] {strides = array<i32>} : memref<128x256xf32, #tpu.memory_space<vmem>>, vector<1x16xf32>,
      %get3A_310 = vector.shape_cast %get3A_309 : vector<1x16xf32> to vector<16xf32>
      %max3A_311 = arith.maximumf %scan3A_237, %get3A_310 : vector<16xf32>
      %get3A_312 = arith.index_cast %scan3A_222 : i32 to index
      %get3A_313 = arith.constant 240 : index
      %get3A_314 = tpu.vector_load %arg4[%get3A_312, %get3A_313] {strides = array<i32>} : memref<128x256xf32, #tpu.memory_space<vmem>>, vector<1x16xf32>,
      %get3A_315 = vector.shape_cast %get3A_314 : vector<1x16xf32> to vector<16xf32>
      %max3A_316 = arith.maximumf %scan3A_238, %get3A_315 : vector<16xf32>
      scf.yield %max3A, %max3A_246, %max3A_251, %max3A_256, %max3A_261, %max3A_266, %max3A_271, %max3A_276, %max3A_281, %max3A_286, %max3A_291, %max3A_296, %max3A_301, %max3A_306, %max3A_311, %max3A_316 : vector<16xf32>, vector<16xf32>, vector<16xf32>, vector<16xf32>, vector<16xf32>, vector<16xf32>, vector<16xf32>, vector<16xf32>, vector<16xf32>, vector<16xf32>, vector<16xf32>, vector<16xf32>, vector<16xf32>, vector<16xf32>, vector<16xf32>, vector<16xf32>
    }
    %scan3A_150 = arith.constant 128 : i32
    %dma_wait3A_151 = tpu.memref_slice %arg2[%add3A_140, %mul3A_32] : memref<8192x1024xf32, #tpu.memory_space<hbm>> -> memref<128x256xf32, #tpu.memory_space<hbm>>
    %dma_wait3A_152 = tpu.memref_slice %arg2[%add3A_140, %mul3A_32] : memref<8192x1024xf32, #tpu.memory_space<hbm>> -> memref<128x256xf32, #tpu.memory_space<hbm>>
    tpu.wait_dma2 semaphore(%arg8 : memref<!tpu.dma_semaphore, #tpu.memory_space<semaphore_mem>>) src(%dma_wait3A_152 : memref<128x256xf32, #tpu.memory_space<hbm>>) dst(%arg5 : memref<128x256xf32, #tpu.memory_space<vmem>>)
    %scan3A_153 = arith.constant 0 : i32
    %scan3A_154 = arith.constant 128 : i32
    %scan3A_155 = arith.addi %scan3A_153, %scan3A_154 : i32
    %scan3A_156 = arith.constant 1 : i32
    %scan3A_157:16 = scf.for %scan3A_222 = %scan3A_153 to %scan3A_155 step %scan3A_156 iter_args(%scan3A_223 = %scan3A_149#0, %scan3A_224 = %scan3A_149#1, %scan3A_225 = %scan3A_149#2, %scan3A_226 = %scan3A_149#3, %scan3A_227 = %scan3A_149#4, %scan3A_228 = %scan3A_149#5, %scan3A_229 = %scan3A_149#6, %scan3A_230 = %scan3A_149#7, %scan3A_231 = %scan3A_149#8, %scan3A_232 = %scan3A_149#9, %scan3A_233 = %scan3A_149#10, %scan3A_234 = %scan3A_149#11, %scan3A_235 = %scan3A_149#12, %scan3A_236 = %scan3A_149#13, %scan3A_237 = %scan3A_149#14, %scan3A_238 = %scan3A_149#15) -> (vector<16xf32>, vector<16xf32>, vector<16xf32>, vector<16xf32>, vector<16xf32>, vector<16xf32>, vector<16xf32>, vector<16xf32>, vector<16xf32>, vector<16xf32>, vector<16xf32>, vector<16xf32>, vector<16xf32>, vector<16xf32>, vector<16xf32>, vector<16xf32>)  : i32 {
      %get3A = arith.index_cast %scan3A_222 : i32 to index
      %get3A_239 = arith.constant 0 : index
      %get3A_240 = tpu.vector_load %arg5[%get3A, %get3A_239] {strides = array<i32>} : memref<128x256xf32, #tpu.memory_space<vmem>>, vector<1x16xf32>,
      %get3A_241 = vector.shape_cast %get3A_240 : vector<1x16xf32> to vector<16xf32>
      %max3A = arith.maximumf %scan3A_223, %get3A_241 : vector<16xf32>
      %get3A_242 = arith.index_cast %scan3A_222 : i32 to index
      %get3A_243 = arith.constant 16 : index
      %get3A_244 = tpu.vector_load %arg5[%get3A_242, %get3A_243] {strides = array<i32>} : memref<128x256xf32, #tpu.memory_space<vmem>>, vector<1x16xf32>,
      %get3A_245 = vector.shape_cast %get3A_244 : vector<1x16xf32> to vector<16xf32>
      %max3A_246 = arith.maximumf %scan3A_224, %get3A_245 : vector<16xf32>
      %get3A_247 = arith.index_cast %scan3A_222 : i32 to index
      %get3A_248 = arith.constant 32 : index
      %get3A_249 = tpu.vector_load %arg5[%get3A_247, %get3A_248] {strides = array<i32>} : memref<128x256xf32, #tpu.memory_space<vmem>>, vector<1x16xf32>,
      %get3A_250 = vector.shape_cast %get3A_249 : vector<1x16xf32> to vector<16xf32>
      %max3A_251 = arith.maximumf %scan3A_225, %get3A_250 : vector<16xf32>
      %get3A_252 = arith.index_cast %scan3A_222 : i32 to index
      %get3A_253 = arith.constant 48 : index
      %get3A_254 = tpu.vector_load %arg5[%get3A_252, %get3A_253] {strides = array<i32>} : memref<128x256xf32, #tpu.memory_space<vmem>>, vector<1x16xf32>,
      %get3A_255 = vector.shape_cast %get3A_254 : vector<1x16xf32> to vector<16xf32>
      %max3A_256 = arith.maximumf %scan3A_226, %get3A_255 : vector<16xf32>
      %get3A_257 = arith.index_cast %scan3A_222 : i32 to index
      %get3A_258 = arith.constant 64 : index
      %get3A_259 = tpu.vector_load %arg5[%get3A_257, %get3A_258] {strides = array<i32>} : memref<128x256xf32, #tpu.memory_space<vmem>>, vector<1x16xf32>,
      %get3A_260 = vector.shape_cast %get3A_259 : vector<1x16xf32> to vector<16xf32>
      %max3A_261 = arith.maximumf %scan3A_227, %get3A_260 : vector<16xf32>
      %get3A_262 = arith.index_cast %scan3A_222 : i32 to index
      %get3A_263 = arith.constant 80 : index
      %get3A_264 = tpu.vector_load %arg5[%get3A_262, %get3A_263] {strides = array<i32>} : memref<128x256xf32, #tpu.memory_space<vmem>>, vector<1x16xf32>,
      %get3A_265 = vector.shape_cast %get3A_264 : vector<1x16xf32> to vector<16xf32>
      %max3A_266 = arith.maximumf %scan3A_228, %get3A_265 : vector<16xf32>
      %get3A_267 = arith.index_cast %scan3A_222 : i32 to index
      %get3A_268 = arith.constant 96 : index
      %get3A_269 = tpu.vector_load %arg5[%get3A_267, %get3A_268] {strides = array<i32>} : memref<128x256xf32, #tpu.memory_space<vmem>>, vector<1x16xf32>,
      %get3A_270 = vector.shape_cast %get3A_269 : vector<1x16xf32> to vector<16xf32>
      %max3A_271 = arith.maximumf %scan3A_229, %get3A_270 : vector<16xf32>
      %get3A_272 = arith.index_cast %scan3A_222 : i32 to index
      %get3A_273 = arith.constant 112 : index
      %get3A_274 = tpu.vector_load %arg5[%get3A_272, %get3A_273] {strides = array<i32>} : memref<128x256xf32, #tpu.memory_space<vmem>>, vector<1x16xf32>,
      %get3A_275 = vector.shape_cast %get3A_274 : vector<1x16xf32> to vector<16xf32>
      %max3A_276 = arith.maximumf %scan3A_230, %get3A_275 : vector<16xf32>
      %get3A_277 = arith.index_cast %scan3A_222 : i32 to index
      %get3A_278 = arith.constant 128 : index
      %get3A_279 = tpu.vector_load %arg5[%get3A_277, %get3A_278] {strides = array<i32>} : memref<128x256xf32, #tpu.memory_space<vmem>>, vector<1x16xf32>,
      %get3A_280 = vector.shape_cast %get3A_279 : vector<1x16xf32> to vector<16xf32>
      %max3A_281 = arith.maximumf %scan3A_231, %get3A_280 : vector<16xf32>
      %get3A_282 = arith.index_cast %scan3A_222 : i32 to index
      %get3A_283 = arith.constant 144 : index
      %get3A_284 = tpu.vector_load %arg5[%get3A_282, %get3A_283] {strides = array<i32>} : memref<128x256xf32, #tpu.memory_space<vmem>>, vector<1x16xf32>,
      %get3A_285 = vector.shape_cast %get3A_284 : vector<1x16xf32> to vector<16xf32>
      %max3A_286 = arith.maximumf %scan3A_232, %get3A_285 : vector<16xf32>
      %get3A_287 = arith.index_cast %scan3A_222 : i32 to index
      %get3A_288 = arith.constant 160 : index
      %get3A_289 = tpu.vector_load %arg5[%get3A_287, %get3A_288] {strides = array<i32>} : memref<128x256xf32, #tpu.memory_space<vmem>>, vector<1x16xf32>,
      %get3A_290 = vector.shape_cast %get3A_289 : vector<1x16xf32> to vector<16xf32>
      %max3A_291 = arith.maximumf %scan3A_233, %get3A_290 : vector<16xf32>
      %get3A_292 = arith.index_cast %scan3A_222 : i32 to index
      %get3A_293 = arith.constant 176 : index
      %get3A_294 = tpu.vector_load %arg5[%get3A_292, %get3A_293] {strides = array<i32>} : memref<128x256xf32, #tpu.memory_space<vmem>>, vector<1x16xf32>,
      %get3A_295 = vector.shape_cast %get3A_294 : vector<1x16xf32> to vector<16xf32>
      %max3A_296 = arith.maximumf %scan3A_234, %get3A_295 : vector<16xf32>
      %get3A_297 = arith.index_cast %scan3A_222 : i32 to index
      %get3A_298 = arith.constant 192 : index
      %get3A_299 = tpu.vector_load %arg5[%get3A_297, %get3A_298] {strides = array<i32>} : memref<128x256xf32, #tpu.memory_space<vmem>>, vector<1x16xf32>,
      %get3A_300 = vector.shape_cast %get3A_299 : vector<1x16xf32> to vector<16xf32>
      %max3A_301 = arith.maximumf %scan3A_235, %get3A_300 : vector<16xf32>
      %get3A_302 = arith.index_cast %scan3A_222 : i32 to index
      %get3A_303 = arith.constant 208 : index
      %get3A_304 = tpu.vector_load %arg5[%get3A_302, %get3A_303] {strides = array<i32>} : memref<128x256xf32, #tpu.memory_space<vmem>>, vector<1x16xf32>,
      %get3A_305 = vector.shape_cast %get3A_304 : vector<1x16xf32> to vector<16xf32>
      %max3A_306 = arith.maximumf %scan3A_236, %get3A_305 : vector<16xf32>
      %get3A_307 = arith.index_cast %scan3A_222 : i32 to index
      %get3A_308 = arith.constant 224 : index
      %get3A_309 = tpu.vector_load %arg5[%get3A_307, %get3A_308] {strides = array<i32>} : memref<128x256xf32, #tpu.memory_space<vmem>>, vector<1x16xf32>,
      %get3A_310 = vector.shape_cast %get3A_309 : vector<1x16xf32> to vector<16xf32>
      %max3A_311 = arith.maximumf %scan3A_237, %get3A_310 : vector<16xf32>
      %get3A_312 = arith.index_cast %scan3A_222 : i32 to index
      %get3A_313 = arith.constant 240 : index
      %get3A_314 = tpu.vector_load %arg5[%get3A_312, %get3A_313] {strides = array<i32>} : memref<128x256xf32, #tpu.memory_space<vmem>>, vector<1x16xf32>,
      %get3A_315 = vector.shape_cast %get3A_314 : vector<1x16xf32> to vector<16xf32>
      %max3A_316 = arith.maximumf %scan3A_238, %get3A_315 : vector<16xf32>
      scf.yield %max3A, %max3A_246, %max3A_251, %max3A_256, %max3A_261, %max3A_266, %max3A_271, %max3A_276, %max3A_281, %max3A_286, %max3A_291, %max3A_296, %max3A_301, %max3A_306, %max3A_311, %max3A_316 : vector<16xf32>, vector<16xf32>, vector<16xf32>, vector<16xf32>, vector<16xf32>, vector<16xf32>, vector<16xf32>, vector<16xf32>, vector<16xf32>, vector<16xf32>, vector<16xf32>, vector<16xf32>, vector<16xf32>, vector<16xf32>, vector<16xf32>, vector<16xf32>
    }
    %scan3A_158 = arith.constant 128 : i32
    %swap3A = arith.constant 0 : index
    %swap3A_159 = tpu.vector_load %arg6[%swap3A] {strides = array<i32>} : memref<256xf32, #tpu.memory_space<vmem>>, vector<16xf32>,
    %swap3A_160 = vector.shape_cast %swap3A_159 : vector<16xf32> to vector<16xf32>
    %swap3A_161 = vector.shape_cast %scan3A_157#0 : vector<16xf32> to vector<16xf32>
    tpu.vector_store %arg6[%swap3A], %swap3A_161 {strides = array<i32>} : memref<256xf32, #tpu.memory_space<vmem>>, vector<16xf32>,
    %swap3A_162 = arith.constant 16 : index
    %swap3A_163 = tpu.vector_load %arg6[%swap3A_162] {strides = array<i32>} : memref<256xf32, #tpu.memory_space<vmem>>, vector<16xf32>,
    %swap3A_164 = vector.shape_cast %swap3A_163 : vector<16xf32> to vector<16xf32>
    %swap3A_165 = vector.shape_cast %scan3A_157#1 : vector<16xf32> to vector<16xf32>
    tpu.vector_store %arg6[%swap3A_162], %swap3A_165 {strides = array<i32>} : memref<256xf32, #tpu.memory_space<vmem>>, vector<16xf32>,
    %swap3A_166 = arith.constant 32 : index
    %swap3A_167 = tpu.vector_load %arg6[%swap3A_166] {strides = array<i32>} : memref<256xf32, #tpu.memory_space<vmem>>, vector<16xf32>,
    %swap3A_168 = vector.shape_cast %swap3A_167 : vector<16xf32> to vector<16xf32>
    %swap3A_169 = vector.shape_cast %scan3A_157#2 : vector<16xf32> to vector<16xf32>
    tpu.vector_store %arg6[%swap3A_166], %swap3A_169 {strides = array<i32>} : memref<256xf32, #tpu.memory_space<vmem>>, vector<16xf32>,
    %swap3A_170 = arith.constant 48 : index
    %swap3A_171 = tpu.vector_load %arg6[%swap3A_170] {strides = array<i32>} : memref<256xf32, #tpu.memory_space<vmem>>, vector<16xf32>,
    %swap3A_172 = vector.shape_cast %swap3A_171 : vector<16xf32> to vector<16xf32>
    %swap3A_173 = vector.shape_cast %scan3A_157#3 : vector<16xf32> to vector<16xf32>
    tpu.vector_store %arg6[%swap3A_170], %swap3A_173 {strides = array<i32>} : memref<256xf32, #tpu.memory_space<vmem>>, vector<16xf32>,
    %swap3A_174 = arith.constant 64 : index
    %swap3A_175 = tpu.vector_load %arg6[%swap3A_174] {strides = array<i32>} : memref<256xf32, #tpu.memory_space<vmem>>, vector<16xf32>,
    %swap3A_176 = vector.shape_cast %swap3A_175 : vector<16xf32> to vector<16xf32>
    %swap3A_177 = vector.shape_cast %scan3A_157#4 : vector<16xf32> to vector<16xf32>
    tpu.vector_store %arg6[%swap3A_174], %swap3A_177 {strides = array<i32>} : memref<256xf32, #tpu.memory_space<vmem>>, vector<16xf32>,
    %swap3A_178 = arith.constant 80 : index
    %swap3A_179 = tpu.vector_load %arg6[%swap3A_178] {strides = array<i32>} : memref<256xf32, #tpu.memory_space<vmem>>, vector<16xf32>,
    %swap3A_180 = vector.shape_cast %swap3A_179 : vector<16xf32> to vector<16xf32>
    %swap3A_181 = vector.shape_cast %scan3A_157#5 : vector<16xf32> to vector<16xf32>
    tpu.vector_store %arg6[%swap3A_178], %swap3A_181 {strides = array<i32>} : memref<256xf32, #tpu.memory_space<vmem>>, vector<16xf32>,
    %swap3A_182 = arith.constant 96 : index
    %swap3A_183 = tpu.vector_load %arg6[%swap3A_182] {strides = array<i32>} : memref<256xf32, #tpu.memory_space<vmem>>, vector<16xf32>,
    %swap3A_184 = vector.shape_cast %swap3A_183 : vector<16xf32> to vector<16xf32>
    %swap3A_185 = vector.shape_cast %scan3A_157#6 : vector<16xf32> to vector<16xf32>
    tpu.vector_store %arg6[%swap3A_182], %swap3A_185 {strides = array<i32>} : memref<256xf32, #tpu.memory_space<vmem>>, vector<16xf32>,
    %swap3A_186 = arith.constant 112 : index
    %swap3A_187 = tpu.vector_load %arg6[%swap3A_186] {strides = array<i32>} : memref<256xf32, #tpu.memory_space<vmem>>, vector<16xf32>,
    %swap3A_188 = vector.shape_cast %swap3A_187 : vector<16xf32> to vector<16xf32>
    %swap3A_189 = vector.shape_cast %scan3A_157#7 : vector<16xf32> to vector<16xf32>
    tpu.vector_store %arg6[%swap3A_186], %swap3A_189 {strides = array<i32>} : memref<256xf32, #tpu.memory_space<vmem>>, vector<16xf32>,
    %swap3A_190 = arith.constant 128 : index
    %swap3A_191 = tpu.vector_load %arg6[%swap3A_190] {strides = array<i32>} : memref<256xf32, #tpu.memory_space<vmem>>, vector<16xf32>,
    %swap3A_192 = vector.shape_cast %swap3A_191 : vector<16xf32> to vector<16xf32>
    %swap3A_193 = vector.shape_cast %scan3A_157#8 : vector<16xf32> to vector<16xf32>
    tpu.vector_store %arg6[%swap3A_190], %swap3A_193 {strides = array<i32>} : memref<256xf32, #tpu.memory_space<vmem>>, vector<16xf32>,
    %swap3A_194 = arith.constant 144 : index
    %swap3A_195 = tpu.vector_load %arg6[%swap3A_194] {strides = array<i32>} : memref<256xf32, #tpu.memory_space<vmem>>, vector<16xf32>,
    %swap3A_196 = vector.shape_cast %swap3A_195 : vector<16xf32> to vector<16xf32>
    %swap3A_197 = vector.shape_cast %scan3A_157#9 : vector<16xf32> to vector<16xf32>
    tpu.vector_store %arg6[%swap3A_194], %swap3A_197 {strides = array<i32>} : memref<256xf32, #tpu.memory_space<vmem>>, vector<16xf32>,
    %swap3A_198 = arith.constant 160 : index
    %swap3A_199 = tpu.vector_load %arg6[%swap3A_198] {strides = array<i32>} : memref<256xf32, #tpu.memory_space<vmem>>, vector<16xf32>,
    %swap3A_200 = vector.shape_cast %swap3A_199 : vector<16xf32> to vector<16xf32>
    %swap3A_201 = vector.shape_cast %scan3A_157#10 : vector<16xf32> to vector<16xf32>
    tpu.vector_store %arg6[%swap3A_198], %swap3A_201 {strides = array<i32>} : memref<256xf32, #tpu.memory_space<vmem>>, vector<16xf32>,
    %swap3A_202 = arith.constant 176 : index
    %swap3A_203 = tpu.vector_load %arg6[%swap3A_202] {strides = array<i32>} : memref<256xf32, #tpu.memory_space<vmem>>, vector<16xf32>,
    %swap3A_204 = vector.shape_cast %swap3A_203 : vector<16xf32> to vector<16xf32>
    %swap3A_205 = vector.shape_cast %scan3A_157#11 : vector<16xf32> to vector<16xf32>
    tpu.vector_store %arg6[%swap3A_202], %swap3A_205 {strides = array<i32>} : memref<256xf32, #tpu.memory_space<vmem>>, vector<16xf32>,
    %swap3A_206 = arith.constant 192 : index
    %swap3A_207 = tpu.vector_load %arg6[%swap3A_206] {strides = array<i32>} : memref<256xf32, #tpu.memory_space<vmem>>, vector<16xf32>,
    %swap3A_208 = vector.shape_cast %swap3A_207 : vector<16xf32> to vector<16xf32>
    %swap3A_209 = vector.shape_cast %scan3A_157#12 : vector<16xf32> to vector<16xf32>
    tpu.vector_store %arg6[%swap3A_206], %swap3A_209 {strides = array<i32>} : memref<256xf32, #tpu.memory_space<vmem>>, vector<16xf32>,
    %swap3A_210 = arith.constant 208 : index
    %swap3A_211 = tpu.vector_load %arg6[%swap3A_210] {strides = array<i32>} : memref<256xf32, #tpu.memory_space<vmem>>, vector<16xf32>,
    %swap3A_212 = vector.shape_cast %swap3A_211 : vector<16xf32> to vector<16xf32>
    %swap3A_213 = vector.shape_cast %scan3A_157#13 : vector<16xf32> to vector<16xf32>
    tpu.vector_store %arg6[%swap3A_210], %swap3A_213 {strides = array<i32>} : memref<256xf32, #tpu.memory_space<vmem>>, vector<16xf32>,
    %swap3A_214 = arith.constant 224 : index
    %swap3A_215 = tpu.vector_load %arg6[%swap3A_214] {strides = array<i32>} : memref<256xf32, #tpu.memory_space<vmem>>, vector<16xf32>,
    %swap3A_216 = vector.shape_cast %swap3A_215 : vector<16xf32> to vector<16xf32>
    %swap3A_217 = vector.shape_cast %scan3A_157#14 : vector<16xf32> to vector<16xf32>
    tpu.vector_store %arg6[%swap3A_214], %swap3A_217 {strides = array<i32>} : memref<256xf32, #tpu.memory_space<vmem>>, vector<16xf32>,
    %swap3A_218 = arith.constant 240 : index
    %swap3A_219 = tpu.vector_load %arg6[%swap3A_218] {strides = array<i32>} : memref<256xf32, #tpu.memory_space<vmem>>, vector<16xf32>,
    %swap3A_220 = vector.shape_cast %swap3A_219 : vector<16xf32> to vector<16xf32>
    %swap3A_221 = vector.shape_cast %scan3A_157#15 : vector<16xf32> to vector<16xf32>
    tpu.vector_store %arg6[%swap3A_218], %swap3A_221 {strides = array<i32>} : memref<256xf32, #tpu.memory_space<vmem>>, vector<16xf32>,
    "tpu.region"() ({
      %run_scoped3A = tpu.sem_alloc : memref<!tpu.dma_semaphore, #tpu.memory_space<semaphore_mem>>
      %dma_start3A_222 = tpu.memref_slice %arg3[%select_n3A, %mul3A_32] : memref<8x1024xf32, #tpu.memory_space<hbm>> -> memref<1x256xf32, #tpu.memory_space<hbm>>
      %dma_start3A_223 = tpu.memref_squeeze %dma_start3A_222 : memref<1x256xf32, #tpu.memory_space<hbm>> -> memref<256xf32, #tpu.memory_space<hbm>>
      %dma_start3A_224 = tpu.memref_slice %arg3[%select_n3A, %mul3A_32] : memref<8x1024xf32, #tpu.memory_space<hbm>> -> memref<1x256xf32, #tpu.memory_space<hbm>>
      %dma_start3A_225 = tpu.memref_squeeze %dma_start3A_224 : memref<1x256xf32, #tpu.memory_space<hbm>> -> memref<256xf32, #tpu.memory_space<hbm>>
      tpu.enqueue_dma source(%arg6 : memref<256xf32, #tpu.memory_space<vmem>>) target(%dma_start3A_225 : memref<256xf32, #tpu.memory_space<hbm>>) target_semaphore(%run_scoped3A : memref<!tpu.dma_semaphore, #tpu.memory_space<semaphore_mem>>)
      %dma_wait3A_226 = tpu.memref_slice %arg3[%select_n3A, %mul3A_32] : memref<8x1024xf32, #tpu.memory_space<hbm>> -> memref<1x256xf32, #tpu.memory_space<hbm>>
      %dma_wait3A_227 = tpu.memref_squeeze %dma_wait3A_226 : memref<1x256xf32, #tpu.memory_space<hbm>> -> memref<256xf32, #tpu.memory_space<hbm>>
      %dma_wait3A_228 = tpu.memref_slice %arg3[%select_n3A, %mul3A_32] : memref<8x1024xf32, #tpu.memory_space<hbm>> -> memref<1x256xf32, #tpu.memory_space<hbm>>
      %dma_wait3A_229 = tpu.memref_squeeze %dma_wait3A_228 : memref<1x256xf32, #tpu.memory_space<hbm>> -> memref<256xf32, #tpu.memory_space<hbm>>
      tpu.wait_dma2 semaphore(%run_scoped3A : memref<!tpu.dma_semaphore, #tpu.memory_space<semaphore_mem>>) src(%arg6 : memref<256xf32, #tpu.memory_space<vmem>>) dst(%dma_wait3A_229 : memref<256xf32, #tpu.memory_space<hbm>>)
      tpu.yield
    }) : () -> ()
    return
  }
}

</mosaic_0001>

<sc_bundles>
// kernel: kernel.3.cloned.1.call-start
scs
__scs_entry_jumppad:
0x0: {  	(pc) =	sbr.rel $0x88, $3  }
0x1: {  	(tag) =	ssettag $0x0;
	lr =	simm.s32 $0x1  }
0x2: {  	[smem:$0x3FA0] =	sst lr;
	_ =	strace $0xD0000000  }
0x3: {  	_ = 	snop  }
0x4: {  	_ = 	snop  }
0x5: {  	_ = 	snop  }
0x6: {  	_ = 	snop  }
0x7: {  	_ = 	snop  }
__scs_overlays_trampoline_lowered:
0x8: {  	[smem:$0x3FAF] =	sst s0  }
0x9: {  	[smem:$0x3FB0] =	sst s1  }
0xa: {  	[smem:$0x3FB1] =	sst s2  }
0xb: {  	[smem:$0x3FB2] =	sst s3  }
0xc: {  	[smem:$0x3FB3] =	sst s4  }
0xd: {  	[smem:$0x3FB4] =	sst s5  }
0xe: {  	[smem:$0x3FB5] =	sst s6  }
0xf: {  	[smem:$0x3FB6] =	sst s7  }
0x10: {  	[smem:$0x3FB7] =	sst s8  }
0x11: {  	[smem:$0x3FB8] =	sst s9;
	s0 =	simm.s32 @!p0 $0x0  }
0x12: {  	s1 =	sld [smem:$0x3F9E];
	s0 =	simm.s32 @p0 $0x1  }
0x13: {  	[smem:$0x3FB9] =	sst s0;
	s0 =	simm.s32 @!p1 $0x0  }
0x14: {  	s2 =	sld [smem:$0x3F9D];
	s0 =	simm.s32 @p1 $0x1  }
0x15: {  	[smem:$0x3FBA] =	sst s0;
	s0 =	simm.s32 @!p2 $0x0  }
0x16: {  	s3 =	sld [smem:$0x3FDB];
	s0 =	simm.s32 @p2 $0x1  }
0x17: {  	s4 =	simm.s32 $0x1BF5;
	[smem:$0x3FBC] =	sst s0  }
0x18: {  	s0 =	sld [smem:$0x3F9F];
	_ =	swait.ge [sflag:s4], $0x0  }
0x19: {  	s7 =	sld [smem:$0x3FA0]  }
0x1a: {  	s8 =	sadd.s32 $0xFFFFE003, lr  }
0x1b: {  	s9 =	sadd.s32 $0xFFFFFEF7, lr;
	s5 =	simm.s32 $0xFFFFFFFF;
	p2 =	slt.u32 s8, $0xFFFFF086  }
0x1c: {  	p1 =	slt.u32 s9, $0xF7A;
	s5 =	simm.s32 @!p2 $0x0  }
0x1d: {  	s5 =	simm.s32 @p1 $0x1;
	p0 =	seq.s32 s7, s2  }
0x1e: {  	s7 =	smul.u32 @!p0 $0xF7A, s2;
	p2 =	seq.s32 @!p0 s5, $0x0  }
0x1f: {  	s9 =	smul.u32 $0xF7A, s1;
	s8 =	simm.s32 @!p0 $0x1BF5;
	p2 =	por !p2, p0  }
0x20: {  	[sflag:s8] =	ssyncset.s32 @!p0 $0xFFFFF086;
	s6 =	sadd.s32 @!p0 s3, s7;
	s7 =	simm.s32 @!p0 $0x108  }
0x21: {  	s3 =	sadd.s32 s3, s9;
	s6 =	sadd.s32 @!p0 $0x88, s6;
	s7 =	simm.s32 @p2 $0x1082  }
0x22: {  	[simem:s7], [sflag:s8] =	dma.local @!p0 [hbm:s6], $0xF7A  }
0x23: {  	s9 =	sor.u32 $0xD0000000, s2;
	s6 =	simm.s32 $0x108;
	_ =	swait.ge @!p0 [sflag:s8], $0x0  }
0x24: {  	s3 =	sadd.s32 $0x88, s3;
	s6 =	simm.s32 @!p1 $0x1082;
	[sflag:s4] =	ssyncset.s32 $0xFFFFF086  }
0x25: {  	[simem:s6], [sflag:s4] =	dma.local [hbm:s3], $0xF7A  }
0x26: {  	[smem:$0x3FA0] =	sst s1;
	(tag) =	ssettag s2;
	_ =	strace s9  }
0x27: {  	s1 =	sld [smem:$0x3FB0]  }
0x28: {  	s2 =	sld [smem:$0x3FB1]  }
0x29: {  	s4 =	sld [smem:$0x3FB3]  }
0x2a: {  	p0 =	seq.s32 s5, $0x0;
	s5 =	sld [smem:$0x3FB4]  }
0x2b: {  	s6 =	sld [smem:$0x3FB5]  }
0x2c: {  	s7 =	sld [smem:$0x3FB6]  }
0x2d: {  	s3 =	simm.s32 $0x108;
	s8 =	sld [smem:$0x3FB7]  }
0x2e: {  	s3 =	simm.s32 @!p0 $0x1082;
	s9 =	sld [smem:$0x3FB8]  }
0x2f: {  	lr =	sadd.s32 s0, s3;
	s0 =	sld [smem:$0x3FAF]  }
0x30: {  	s3 =	sld [smem:$0x3FB2]  }
0x31: {  	[smem:$0x3FBB] =	sst s10  }
0x32: {  	s10 =	sld [smem:$0x3FB9];
	_ =	sdelay $0x3  }
0x33: {  	p0 =	seq.s32 s10, $0x1;
	s10 =	sld [smem:$0x3FBB];
	_ =	sdelay $0x3  }
0x34: {  	[smem:$0x3FBB] =	sst s10  }
0x35: {  	s10 =	sld [smem:$0x3FBA];
	_ =	sdelay $0x3  }
0x36: {  	p1 =	seq.s32 s10, $0x1;
	s10 =	sld [smem:$0x3FBB];
	_ =	sdelay $0x3  }
0x37: {  	[smem:$0x3FBB] =	sst s10  }
0x38: {  	s10 =	sld [smem:$0x3FBC]  }
0x39: {  	_ = 	snop;
	(pc) =	sbr.ind lr, $3  }
0x3a: {  	_ = 	snop  }
0x3b: {  	_ = 	snop  }
0x3c: {  	p2 =	seq.s32 s10, $0x1;
	s10 =	sld [smem:$0x3FBB]  }
0x3d: {  	_ =	shalt  }
0x3e: {  	_ =	shalt  }
0x3f: {  	_ =	shalt  }
0x40: {  	_ =	shalt  }
0x41: {  	_ =	shalt  }
0x42: {  	_ =	shalt  }
0x43: {  	_ =	shalt  }
0x44: {  	_ =	shalt  }
0x45: {  	_ =	shalt  }
0x46: {  	_ =	shalt  }
0x47: {  	_ =	shalt  }
0x48: {  	_ =	shalt  }
0x49: {  	_ =	shalt  }
0x4a: {  	_ =	shalt  }
0x4b: {  	_ =	shalt  }
0x4c: {  	_ =	shalt  }
0x4d: {  	_ =	shalt  }
0x4e: {  	_ =	shalt  }
0x4f: {  	_ =	shalt  }
0x50: {  	_ =	shalt  }
0x51: {  	_ =	shalt  }
0x52: {  	_ =	shalt  }
0x53: {  	_ =	shalt  }
0x54: {  	_ =	shalt  }
0x55: {  	_ =	shalt  }
0x56: {  	_ =	shalt  }
0x57: {  	_ =	shalt  }
0x58: {  	_ =	shalt  }
0x59: {  	_ =	shalt  }
0x5a: {  	_ =	shalt  }
0x5b: {  	_ =	shalt  }
0x5c: {  	_ =	shalt  }
0x5d: {  	_ =	shalt  }
0x5e: {  	_ =	shalt  }
0x5f: {  	_ =	shalt  }
0x60: {  	_ =	shalt  }
0x61: {  	_ =	shalt  }
0x62: {  	_ =	shalt  }
0x63: {  	_ =	shalt  }
0x64: {  	_ =	shalt  }
0x65: {  	_ =	shalt  }
0x66: {  	_ =	shalt  }
0x67: {  	_ =	shalt  }
0x68: {  	_ =	shalt  }
0x69: {  	_ =	shalt  }
0x6a: {  	_ =	shalt  }
0x6b: {  	_ =	shalt  }
0x6c: {  	_ =	shalt  }
0x6d: {  	_ =	shalt  }
0x6e: {  	_ =	shalt  }
0x6f: {  	_ =	shalt  }
0x70: {  	_ =	shalt  }
0x71: {  	_ =	shalt  }
0x72: {  	_ =	shalt  }
0x73: {  	_ =	shalt  }
0x74: {  	_ =	shalt  }
0x75: {  	_ =	shalt  }
0x76: {  	_ =	shalt  }
0x77: {  	_ =	shalt  }
0x78: {  	_ =	shalt  }
0x79: {  	_ =	shalt  }
0x7a: {  	_ =	shalt  }
0x7b: {  	_ =	shalt  }
0x7c: {  	_ =	shalt  }
0x7d: {  	_ =	shalt  }
0x7e: {  	_ =	shalt  }
0x7f: {  	_ =	shalt  }
0x80: {  	_ =	shalt  }
0x81: {  	_ =	shalt  }
0x82: {  	_ =	shalt  }
0x83: {  	_ =	shalt  }
0x84: {  	_ =	shalt  }
0x85: {  	_ =	shalt  }
0x86: {  	_ =	shalt  }
0x87: {  	_ =	shalt  }
.Lfunc_end0:
.L_simem_size_0:
called_computation_lowered:
.L_overlay_start_0:
0x88: {  	s2 =	sld [smem:$0x3FD9]  }
0x89: {  	s3 =	sld [smem:$0x3FFE];
	_ =	sdelay $0x1  }
0x8a: {  	s1 =	srdreg.scid  }
0x8b: {  	s0 =	sand.u32 $0x1, s1  }
0x8c: {  	s18 =	sshll.u32 s0, $0xA;
	s2 =	sadd.s32 s3, s2  }
0x8d: {  	s2 =	sadd.s32 s2, s18  }
0x8e: {  	[smem:$0x3FC7] =	sst s2  }
0x8f: {  	_ = 	snop  }
0x90: {  	s2 =	sld [smem:$0x3FC9]  }
0x91: {  	s19 =	sld [smem:$0x3FD0];
	(tm) =	ssettm $0x1  }
0x92: {  	s4 =	sld [smem:$0x3FFB];
	_ =	sdelay $0x3  }
0x93: {  	_ =	strace s4  }
0x94: {  	s4 =	sld [smem:$0x3FFC];
	_ =	sdelay $0x3  }
0x95: {  	_ =	strace s4  }
0x96: {  	s4 =	sld [smem:$0x3FFD];
	_ =	sdelay $0x3  }
0x97: {  	_ =	strace s4  }
0x98: {  	_ =	strace $0x8FFFFFFF  }
0x99: {  	s20 =	sld [smem:$0x3FDB];
	_ =	sdelay $0x1  }
0x9a: {  	s5 =	simm.s32 $_scs_section_size  }
0x9b: {  	s6 =	simm.s32 $_size__tile_overlayer_lowered;
	s7 =	simm.s32 $_tile_overlayer_lowered  }
0x9c: {  	s23 =	simm.s32 $0x1BFF;
	s22 =	sshll.u32 s7, $0x1;
	s4 =	sadd.s32 s5, s20  }
0x9d: {  	s8 =	simm.s32 $0x0;
	s21 =	sshll.u32 s6, $0x1;
	s6 =	sadd.s32 s22, s4  }
0x9e: {  	[timem:s8], [sflag:s23] =	dma.local [hbm:s6], s21  }
0x9f: {  	_ =	swait.ge [sflag:s23], s21  }
0xa0: {  	s5 =	ssub.s32 $0x0, s21;
	[sflag:s23] =	ssyncset.done $0x0  }
0xa1: {  	[sflag:s23] =	ssyncadd.s32 s5;
	_ =	sdelay $0x1  }
0xa2: {  	s24 =	simm.s32 $0x1B8B  }
0xa3: {  	_ =	swait.ge [sflag:s24], $0x1  }
0xa4: {  	[sflag:s24] =	ssyncset.done $0x0  }
0xa5: {  	s25 =	simm.s32 $0x1B8E;
	[sflag:s24] =	ssyncadd.s32 $0xFFFFFFFF  }
0xa6: {  	s26 =	simm.s32 $execute0_lowered;
	[smem:$0x3FD2] =	sst s25  }
0xa7: {  	s5 =	sshll.u32 s26, $0x1;
	_ =	strace $0x80000046;
	[dreg:$0x1] =	wrdreg $0xFFFFFFFF  }
0xa8: {  	s28 =	simm.s32 $_size_execute0_lowered;
	s4 =	sadd.s32 s4, s5;
	[dreg:$0x0] =	wrdreg $0x0  }
0xa9: {  	s5 =	sshll.u32 s28, $0x1;
	[dreg:$0x2] =	wrdreg s4  }
0xaa: {  	[dreg:$0x3] =	wrdreg s5  }
0xab: {  	[dreg:$0x4] =	wrdreg $0xC0  }
0xac: {  	_ =	task [dreg:s8], $0x5FFFF  }
0xad: {  	[dreg:$0x1] =	wrdreg $0xFFFFFFFF  }
0xae: {  	[dreg:$0x0] =	wrdreg $0x60  }
0xaf: {  	[dreg:$0x2] =	wrdreg s2  }
0xb0: {  	[dreg:$0x3] =	wrdreg s19  }
0xb1: {  	[dreg:$0x4] =	wrdreg $0x9  }
0xb2: {  	_ =	task.clear_ibuf [dreg:s8], $0x5FFFF;
	_ =	strace $0x90000046  }
0xb3: {  	s29 =	simm.s32 $0x9;
	_ =	strace $0x80000048  }
0xb4: {  	_ =	swait.ge [sflag:s29], $0x1  }
0xb5: {  	[sflag:s29] =	ssyncadd.s32 $0xFFFFFFFF  }
0xb6: {  	_ =	strace $0x90000048  }
0xb7: {  	_ =	sfence  }
0xb8: {  	s30 =	sld [smem:$0x0];
	_ =	sdelay $0x2  }
0xb9: {  	s31 =	sshll.u32 s1, $0xD;
	s1 =	sshrl.u32 s1, $0x2  }
0xba: {  	s3 =	sand.u32 $0x4000, s31;
	s1 =	sadd.s32 s1, s30  }
0xbb: {  	s0 =	sor.u32 s3, s0;
	s1 =	sshll.u32 s1, $0x11  }
0xbc: {  	s0 =	sor.u32 s1, s0  }
0xbd: {  	s0 =	sadd.s32 $0x8F2B, s0  }
0xbe: {  	[sflag:s0] =	ssyncadd.remote.s32 $0x1  }
0xbf: {  	_ =	sfence.sel $0xFFFF  }
0xc0: {  	[dreg:$0x0] =	wrdreg $0xFFFFFFFF;
	(pc) =	sbr.abs _section_cstart, $3  }
0xc1: {  	[dreg:$0x1] =	wrdreg $0xFFFFFFFF  }
0xc2: {  	_ =	task.clear_ibuf [dreg:s8], $0x2FFFF;
	_ =	strace $0x9FFFFFFF  }
0xc3: {  	(tm) =	ssettm $0x7FFFFFFF  }
tec
execute0_lowered:
.L_overlay_start_1:
0x0: {  	(tag) =	ssettag $0x1  }
0x1: {  	s0 =	stileid.u32;
	s4 =	rddreg [dreg:$0x0]  }
0x2: {  	s1 =	srdreg.scid;
	s11 =	rddreg [dreg:$0x1]  }
0x3: {  	s14 =	simm.s32 $0x2000;
	s15 =	simm.s32 $0x8000;
	s16 =	simm.s32 $0x1  }
0x4: {  	s17 =	simm.s32 $0x2;
	s18 =	simm.s32 $0x80;
	s19 =	simm.s32 $0x400  }
0x5: {  	s20 =	simm.s32 $0x10000;
	s21 =	simm.s32 $0x3;
	s22 =	simm.s32 $0x0  }
0x6: {  	s2 =	sshll.u32 s0, $0x1;
	s3 =	sand.u32 $0x1, s1;
	s7 =	sshrl.u32 s0, $0x1  }
0x7: {  	s28 =	sand.u32 $0x2, s2;
	s29 =	sshll.u32 s7, $0x14;
	s2 =	simm.s32 $0x0  }
0x8: {  	s6 =	ssub.s32 $0x2, s3;
	s10 =	sshll.u32 s7, $0x7;
	s1 =	sor.u32 s3, s28  }
0x9: {  	[smem:$0x7FF] =	sst s2;
	s31 =	sshrl.u32 s6, $0x1;
	s9 =	sshll.u32 s1, $0xB  }
0xa: {  	s1 =	rddreg [dreg:$0x2];
	_ =	strace $0x80000047;
	s5 =	sor.u32 s29, s9  }
0xb: {  	s12 =	ssub.s32 s6, s31;
	s13 =	sor.u32 s10, s9;
	s30 =	sshrl.u32 s5, $0x3  }
0xc: {  	s12 =	smax.u32 s12, $0x1;
	s13 =	sshrl.u32 s13, $0x3;
	s3 =	sadd.s32 s4, s30  }
0xd: {  	s11 =	sadd.s32 s11, s13;
	s13 =	simm.s32 $0x800;
	s4 =	sadd.s32 $0x4000, s3  }
0xe: {  	s5 =	sadd.s32 $0x8000, s3;
	s6 =	sadd.s32 $0xC000, s3;
	s7 =	sadd.s32 $0x10000, s3  }
0xf: {  	s8 =	sadd.s32 $0x14000, s3;
	s9 =	sadd.s32 $0x18000, s3;
	s10 =	sadd.s32 $0x1C000, s3  }
.LBB2_1:
0x10: {  	[tilespmem:s2], [sflag:$0x1] =	stream.strided.gather [hbm4b:s3+s13], $0x8000, s14, s13, $0x38;
	[tilespmem:$0x10100] =	vst v63  }
0x11: {  	_ = 	snop  }
0x12: {  	[tilespmem:s15], [sflag:$0x2] =	stream.strided.gather [hbm4b:s4+s13], $0x8000, s14, s13, $0x38;
	[tilespmem:$0x10100] =	vst v63  }
0x13: {  	_ =	swait.ge [sflag:s16], $0x8000  }
0x14: {  	s23 =	sand.u32 $0x7800, s2;
	s24 =	sand.u32 $0x380, s2;
	[sflag:s16] =	ssyncset.done $0x0  }
0x15: {  	s23 =	sor.u32 s24, s23;
	[sflag:s16] =	ssyncadd.s32 $0xFFFF8000  }
0x16: {  	v0 =	vld [tilespmem:s23+$0x470]  }
0x17: {  	v1 =	vld [tilespmem:s23+$0x0]  }
0x18: {  	v4 =	vld [tilespmem:s23+$0x10]  }
0x19: {  	v5 =	vld [tilespmem:s23+$0x20]  }
0x1a: {  	v6 =	vld [tilespmem:s23+$0x30]  }
0x1b: {  	v7 =	vld [tilespmem:s23+$0x40]  }
0x1c: {  	v8 =	vld [tilespmem:s23+$0x50]  }
0x1d: {  	v9 =	vld [tilespmem:s23+$0x60]  }
0x1e: {  	v11 =	vld [tilespmem:s23+$0x70]  }
0x1f: {  	v10 =	vimm.f32 $-Inf;
	v12 =	vld [tilespmem:s23+$0x400]  }
0x20: {  	v14 =	vimm.f32 $-Inf;
	v15 =	vimm.f32 $-Inf;
	v13 =	vimm.f32 $-Inf;
	v16 =	vld [tilespmem:s23+$0x410]  }
0x21: {  	v17 =	vld [tilespmem:s23+$0x420];
	v2 =	vmax.f32 v10, v0;
	v3 =	vmax.f32 v10, v1;
	v0 =	vmax.f32 v10, v4  }
0x22: {  	v18 =	vld [tilespmem:s23+$0x430];
	v4 =	vmax.f32 v10, v5;
	v5 =	vmax.f32 v10, v6;
	v1 =	vmax.f32 v10, v7  }
0x23: {  	s25 =	simm.s32 $0x100;
	s24 =	simm.s32 $0x80;
	v19 =	vld [tilespmem:s23+$0x440];
	v6 =	vmax.f32 v10, v8;
	v7 =	vmax.f32 v10, v9;
	v8 =	vmax.f32 v10, v11  }
0x24: {  	s26 =	sand.u32 $0x7800, s25;
	s25 =	simm.s32 $0x200;
	s28 =	sand.u32 $0x380, s24;
	v20 =	vld [tilespmem:s23+$0x450];
	v9 =	vmax.f32 v10, v12;
	v12 =	vimm.f32 $-Inf;
	v11 =	vimm.f32 $-Inf  }
.LBB2_2:
0x25: {  	p0 =	sne.s32 s25, $0x7F00;
	v10 =	vmax.f32 v10, v16;
	v16 =	vld [tilespmem:s23+$0x460];
	s23 =	sor.u32 s28, s26  }
0x26: {  	v21 =	vld [tilespmem:s23+$0x470];
	v12 =	vmax.f32 v12, v17  }
0x27: {  	v17 =	vld [tilespmem:s23+$0x0];
	v11 =	vmax.f32 v11, v18  }
0x28: {  	v18 =	vld [tilespmem:s23+$0x10];
	v14 =	vmax.f32 v14, v19  }
0x29: {  	v19 =	vld [tilespmem:s23+$0x20];
	v15 =	vmax.f32 v15, v20  }
0x2a: {  	v20 =	vld [tilespmem:s23+$0x30];
	v13 =	vmax.f32 v13, v16  }
0x2b: {  	v16 =	vld [tilespmem:s23+$0x40];
	v2 =	vmax.f32 v2, v21  }
0x2c: {  	v3 =	vmax.f32 v3, v17;
	v17 =	vld [tilespmem:s23+$0x50]  }
0x2d: {  	v0 =	vmax.f32 v0, v18;
	v18 =	vld [tilespmem:s23+$0x60]  }
0x2e: {  	v4 =	vmax.f32 v4, v19;
	v19 =	vld [tilespmem:s23+$0x70]  }
0x2f: {  	v5 =	vmax.f32 v5, v20;
	v20 =	vld [tilespmem:s23+$0x400]  }
.Ltmp0:
0x30: {  	v1 =	vmax.f32 v1, v16;
	v16 =	vld [tilespmem:s23+$0x410];
	(pc) =	sbr.rel @p0 .LBB2_2-.Ltmp0, $4  }
0x31: {  	v6 =	vmax.f32 v6, v17;
	v17 =	vld [tilespmem:s23+$0x420]  }
0x32: {  	v7 =	vmax.f32 v7, v18;
	v18 =	vld [tilespmem:s23+$0x430]  }
0x33: {  	s24 =	sadd.s32 $0x80, s24;
	v8 =	vmax.f32 v8, v19;
	v19 =	vld [tilespmem:s23+$0x440]  }
0x34: {  	s26 =	sand.u32 $0x7800, s25;
	s25 =	sadd.s32 $0x100, s25;
	s28 =	sand.u32 $0x380, s24;
	v9 =	vmax.f32 v9, v20;
	v20 =	vld [tilespmem:s23+$0x450]  }
0x35: {  	s24 =	sor.u32 s28, s26;
	v21 =	vld [tilespmem:s23+$0x460]  }
0x36: {  	v22 =	vld [tilespmem:s24+$0x470]  }
0x37: {  	v23 =	vld [tilespmem:s24+$0x0]  }
0x38: {  	v24 =	vld [tilespmem:s24+$0x10]  }
0x39: {  	v25 =	vld [tilespmem:s24+$0x20]  }
0x3a: {  	v26 =	vld [tilespmem:s24+$0x30]  }
0x3b: {  	v27 =	vld [tilespmem:s24+$0x40]  }
0x3c: {  	v28 =	vld [tilespmem:s24+$0x50]  }
0x3d: {  	v29 =	vld [tilespmem:s24+$0x60]  }
0x3e: {  	v30 =	vld [tilespmem:s24+$0x70]  }
0x3f: {  	v31 =	vld [tilespmem:s24+$0x400]  }
0x40: {  	v32 =	vld [tilespmem:s24+$0x410]  }
0x41: {  	v33 =	vld [tilespmem:s24+$0x420]  }
0x42: {  	v34 =	vld [tilespmem:s24+$0x430]  }
0x43: {  	v35 =	vld [tilespmem:s24+$0x440]  }
0x44: {  	s30 =	simm.s32 $0x0;
	v36 =	vld [tilespmem:s24+$0x450]  }
0x45: {  	v37 =	vld [tilespmem:s24+$0x460];
	[tilespmem:s30], [sflag:$0x1] =	stream.strided.gather [hbm4b:s5+s13], $0x8000, s14, s13, $0x38  }
0x46: {  	_ =	swait.ge [sflag:s17], $0x8000  }
0x47: {  	s31 =	sand.u32 $0x7800, s30;
	s23 =	sand.u32 $0x380, s30;
	[sflag:s17] =	ssyncset.done $0x0  }
0x48: {  	s23 =	sor.u32 s23, s31;
	[sflag:s17] =	ssyncadd.s32 $0xFFFF8000  }
0x49: {  	v38 =	vld [tilespmem:s23+$0x8470]  }
0x4a: {  	v39 =	vld [tilespmem:s23+$0x8000]  }
0x4b: {  	v40 =	vld [tilespmem:s23+$0x8010]  }
0x4c: {  	v41 =	vld [tilespmem:s23+$0x8020]  }
0x4d: {  	v10 =	vmax.f32 v10, v16;
	v12 =	vmax.f32 v12, v17;
	v42 =	vld [tilespmem:s23+$0x8030]  }
0x4e: {  	v11 =	vmax.f32 v11, v18;
	v14 =	vmax.f32 v14, v19;
	v15 =	vmax.f32 v15, v20;
	v19 =	vld [tilespmem:s23+$0x8040]  }
0x4f: {  	v13 =	vmax.f32 v13, v21;
	v20 =	vld [tilespmem:s23+$0x8050];
	v17 =	vmax.f32 v2, v22;
	v18 =	vmax.f32 v3, v23  }
0x50: {  	v56 =	vld [tilespmem:s23+$0x8060];
	v21 =	vmax.f32 v0, v24;
	v22 =	vmax.f32 v4, v25;
	v23 =	vmax.f32 v5, v26  }
0x51: {  	v60 =	vld [tilespmem:s23+$0x8070];
	v57 =	vmax.f32 v1, v27;
	v58 =	vmax.f32 v6, v28;
	v59 =	vmax.f32 v7, v29  }
0x52: {  	v63 =	vld [tilespmem:s23+$0x8400];
	v61 =	vmax.f32 v8, v30;
	v62 =	vmax.f32 v9, v31;
	v0 =	vmax.f32 v10, v32  }
0x53: {  	v16 =	vld [tilespmem:s23+$0x8410];
	v8 =	vmax.f32 v12, v33;
	v1 =	vmax.f32 v11, v34;
	v2 =	vmax.f32 v14, v35  }
0x54: {  	v9 =	vmax.f32 v15, v36;
	v3 =	vmax.f32 v13, v37;
	v4 =	vmax.f32 v17, v38;
	v17 =	vld [tilespmem:s23+$0x8420]  }
0x55: {  	v10 =	vmax.f32 v18, v39;
	v5 =	vmax.f32 v21, v40;
	v6 =	vmax.f32 v22, v41;
	v18 =	vld [tilespmem:s23+$0x8430]  }
0x56: {  	s25 =	simm.s32 $0x100;
	s24 =	simm.s32 $0x80;
	v11 =	vmax.f32 v23, v42;
	v7 =	vmax.f32 v57, v19;
	v12 =	vmax.f32 v58, v20;
	v19 =	vld [tilespmem:s23+$0x8440]  }
0x57: {  	s26 =	sand.u32 $0x7800, s25;
	s25 =	simm.s32 $0x200;
	s28 =	sand.u32 $0x380, s24;
	v14 =	vmax.f32 v59, v56;
	v13 =	vmax.f32 v61, v60;
	v15 =	vmax.f32 v62, v63;
	v20 =	vld [tilespmem:s23+$0x8450]  }
.LBB2_4:
0x58: {  	p0 =	sne.s32 s25, $0x7F00;
	v0 =	vmax.f32 v0, v16;
	v16 =	vld [tilespmem:s23+$0x8460];
	s23 =	sor.u32 s28, s26  }
0x59: {  	v21 =	vld [tilespmem:s23+$0x8470];
	v8 =	vmax.f32 v8, v17  }
0x5a: {  	v17 =	vld [tilespmem:s23+$0x8000];
	v1 =	vmax.f32 v1, v18  }
0x5b: {  	v18 =	vld [tilespmem:s23+$0x8010];
	v2 =	vmax.f32 v2, v19  }
0x5c: {  	v19 =	vld [tilespmem:s23+$0x8020];
	v9 =	vmax.f32 v9, v20  }
0x5d: {  	v20 =	vld [tilespmem:s23+$0x8030];
	v3 =	vmax.f32 v3, v16  }
0x5e: {  	v16 =	vld [tilespmem:s23+$0x8040];
	v4 =	vmax.f32 v4, v21  }
0x5f: {  	v10 =	vmax.f32 v10, v17;
	v17 =	vld [tilespmem:s23+$0x8050]  }
0x60: {  	v5 =	vmax.f32 v5, v18;
	v18 =	vld [tilespmem:s23+$0x8060]  }
0x61: {  	v6 =	vmax.f32 v6, v19;
	v19 =	vld [tilespmem:s23+$0x8070]  }
0x62: {  	v11 =	vmax.f32 v11, v20;
	v20 =	vld [tilespmem:s23+$0x8400]  }
.Ltmp1:
0x63: {  	v7 =	vmax.f32 v7, v16;
	v16 =	vld [tilespmem:s23+$0x8410];
	(pc) =	sbr.rel @p0 .LBB2_4-.Ltmp1, $4  }
0x64: {  	v12 =	vmax.f32 v12, v17;
	v17 =	vld [tilespmem:s23+$0x8420]  }
0x65: {  	v14 =	vmax.f32 v14, v18;
	v18 =	vld [tilespmem:s23+$0x8430]  }
0x66: {  	s24 =	sadd.s32 $0x80, s24;
	v13 =	vmax.f32 v13, v19;
	v19 =	vld [tilespmem:s23+$0x8440]  }
0x67: {  	s26 =	sand.u32 $0x7800, s25;
	s25 =	sadd.s32 $0x100, s25;
	s28 =	sand.u32 $0x380, s24;
	v15 =	vmax.f32 v15, v20;
	v20 =	vld [tilespmem:s23+$0x8450]  }
0x68: {  	s24 =	sor.u32 s28, s26;
	v21 =	vld [tilespmem:s23+$0x8460]  }
0x69: {  	v22 =	vld [tilespmem:s24+$0x8470]  }
0x6a: {  	v23 =	vld [tilespmem:s24+$0x8000]  }
0x6b: {  	v24 =	vld [tilespmem:s24+$0x8010]  }
0x6c: {  	v25 =	vld [tilespmem:s24+$0x8020]  }
0x6d: {  	v26 =	vld [tilespmem:s24+$0x8030]  }
0x6e: {  	v27 =	vld [tilespmem:s24+$0x8040]  }
0x6f: {  	v28 =	vld [tilespmem:s24+$0x8050]  }
0x70: {  	v29 =	vld [tilespmem:s24+$0x8060]  }
0x71: {  	v30 =	vld [tilespmem:s24+$0x8070]  }
0x72: {  	v31 =	vld [tilespmem:s24+$0x8400]  }
0x73: {  	v32 =	vld [tilespmem:s24+$0x8410]  }
0x74: {  	v33 =	vld [tilespmem:s24+$0x8420]  }
0x75: {  	v34 =	vld [tilespmem:s24+$0x8430]  }
0x76: {  	v35 =	vld [tilespmem:s24+$0x8440]  }
0x77: {  	v36 =	vld [tilespmem:s24+$0x8450]  }
0x78: {  	v37 =	vld [tilespmem:s24+$0x8460];
	[tilespmem:s15], [sflag:$0x2] =	stream.strided.gather [hbm4b:s6+s13], $0x8000, s14, s13, $0x38  }
0x79: {  	s30 =	simm.s32 $0x0;
	_ =	swait.ge [sflag:s16], $0x8000  }
0x7a: {  	s31 =	sand.u32 $0x7800, s30;
	s23 =	sand.u32 $0x380, s30;
	[sflag:s16] =	ssyncset.done $0x0  }
0x7b: {  	s23 =	sor.u32 s23, s31;
	[sflag:s16] =	ssyncadd.s32 $0xFFFF8000  }
0x7c: {  	v38 =	vld [tilespmem:s23+$0x470]  }
0x7d: {  	v39 =	vld [tilespmem:s23+$0x0]  }
0x7e: {  	v40 =	vld [tilespmem:s23+$0x10]  }
0x7f: {  	v41 =	vld [tilespmem:s23+$0x20]  }
0x80: {  	v0 =	vmax.f32 v0, v16;
	v8 =	vmax.f32 v8, v17;
	v42 =	vld [tilespmem:s23+$0x30]  }
0x81: {  	v1 =	vmax.f32 v1, v18;
	v2 =	vmax.f32 v2, v19;
	v9 =	vmax.f32 v9, v20;
	v19 =	vld [tilespmem:s23+$0x40]  }
0x82: {  	v3 =	vmax.f32 v3, v21;
	v20 =	vld [tilespmem:s23+$0x50];
	v4 =	vmax.f32 v4, v22;
	v10 =	vmax.f32 v10, v23  }
0x83: {  	v21 =	vld [tilespmem:s23+$0x60];
	v5 =	vmax.f32 v5, v24;
	v6 =	vmax.f32 v6, v25;
	v11 =	vmax.f32 v11, v26  }
0x84: {  	v7 =	vmax.f32 v7, v27;
	v12 =	vmax.f32 v12, v28;
	v14 =	vmax.f32 v14, v29;
	v22 =	vld [tilespmem:s23+$0x70]  }
0x85: {  	v13 =	vmax.f32 v13, v30;
	v15 =	vmax.f32 v15, v31;
	v0 =	vmax.f32 v0, v32;
	v23 =	vld [tilespmem:s23+$0x400]  }
0x86: {  	v16 =	vld [tilespmem:s23+$0x410];
	v8 =	vmax.f32 v8, v33;
	v1 =	vmax.f32 v1, v34;
	v2 =	vmax.f32 v2, v35  }
0x87: {  	v17 =	vld [tilespmem:s23+$0x420];
	v9 =	vmax.f32 v9, v36;
	v3 =	vmax.f32 v3, v37;
	v4 =	vmax.f32 v4, v38  }
0x88: {  	v18 =	vld [tilespmem:s23+$0x430];
	v10 =	vmax.f32 v10, v39;
	v5 =	vmax.f32 v5, v40;
	v6 =	vmax.f32 v6, v41  }
0x89: {  	s25 =	simm.s32 $0x100;
	s24 =	simm.s32 $0x80;
	v11 =	vmax.f32 v11, v42;
	v7 =	vmax.f32 v7, v19;
	v12 =	vmax.f32 v12, v20;
	v19 =	vld [tilespmem:s23+$0x440]  }
0x8a: {  	s26 =	sand.u32 $0x7800, s25;
	s25 =	simm.s32 $0x200;
	s28 =	sand.u32 $0x380, s24;
	v14 =	vmax.f32 v14, v21;
	v20 =	vld [tilespmem:s23+$0x450];
	v13 =	vmax.f32 v13, v22;
	v15 =	vmax.f32 v15, v23  }
.LBB2_6:
0x8b: {  	p0 =	sne.s32 s25, $0x7F00;
	v0 =	vmax.f32 v0, v16;
	v16 =	vld [tilespmem:s23+$0x460];
	s23 =	sor.u32 s28, s26  }
0x8c: {  	v21 =	vld [tilespmem:s23+$0x470];
	v8 =	vmax.f32 v8, v17  }
0x8d: {  	v17 =	vld [tilespmem:s23+$0x0];
	v1 =	vmax.f32 v1, v18  }
0x8e: {  	v18 =	vld [tilespmem:s23+$0x10];
	v2 =	vmax.f32 v2, v19  }
0x8f: {  	v19 =	vld [tilespmem:s23+$0x20];
	v9 =	vmax.f32 v9, v20  }
0x90: {  	v20 =	vld [tilespmem:s23+$0x30];
	v3 =	vmax.f32 v3, v16  }
0x91: {  	v16 =	vld [tilespmem:s23+$0x40];
	v4 =	vmax.f32 v4, v21  }
0x92: {  	v10 =	vmax.f32 v10, v17;
	v17 =	vld [tilespmem:s23+$0x50]  }
0x93: {  	v5 =	vmax.f32 v5, v18;
	v18 =	vld [tilespmem:s23+$0x60]  }
0x94: {  	v6 =	vmax.f32 v6, v19;
	v19 =	vld [tilespmem:s23+$0x70]  }
0x95: {  	v11 =	vmax.f32 v11, v20;
	v20 =	vld [tilespmem:s23+$0x400]  }
.Ltmp2:
0x96: {  	v7 =	vmax.f32 v7, v16;
	v16 =	vld [tilespmem:s23+$0x410];
	(pc) =	sbr.rel @p0 .LBB2_6-.Ltmp2, $4  }
0x97: {  	v12 =	vmax.f32 v12, v17;
	v17 =	vld [tilespmem:s23+$0x420]  }
0x98: {  	v14 =	vmax.f32 v14, v18;
	v18 =	vld [tilespmem:s23+$0x430]  }
0x99: {  	s24 =	sadd.s32 $0x80, s24;
	v13 =	vmax.f32 v13, v19;
	v19 =	vld [tilespmem:s23+$0x440]  }
0x9a: {  	s26 =	sand.u32 $0x7800, s25;
	s25 =	sadd.s32 $0x100, s25;
	s28 =	sand.u32 $0x380, s24;
	v15 =	vmax.f32 v15, v20;
	v20 =	vld [tilespmem:s23+$0x450]  }
0x9b: {  	s24 =	sor.u32 s28, s26;
	v21 =	vld [tilespmem:s23+$0x460]  }
0x9c: {  	v22 =	vld [tilespmem:s24+$0x470]  }
0x9d: {  	v23 =	vld [tilespmem:s24+$0x0]  }
0x9e: {  	v24 =	vld [tilespmem:s24+$0x10]  }
0x9f: {  	v25 =	vld [tilespmem:s24+$0x20]  }
0xa0: {  	v26 =	vld [tilespmem:s24+$0x30]  }
0xa1: {  	v27 =	vld [tilespmem:s24+$0x40]  }
0xa2: {  	v28 =	vld [tilespmem:s24+$0x50]  }
0xa3: {  	v29 =	vld [tilespmem:s24+$0x60]  }
0xa4: {  	v30 =	vld [tilespmem:s24+$0x70]  }
0xa5: {  	v31 =	vld [tilespmem:s24+$0x400]  }
0xa6: {  	v32 =	vld [tilespmem:s24+$0x410]  }
0xa7: {  	v33 =	vld [tilespmem:s24+$0x420]  }
0xa8: {  	v34 =	vld [tilespmem:s24+$0x430]  }
0xa9: {  	v35 =	vld [tilespmem:s24+$0x440]  }
0xaa: {  	s30 =	simm.s32 $0x0;
	v36 =	vld [tilespmem:s24+$0x450]  }
0xab: {  	v37 =	vld [tilespmem:s24+$0x460];
	[tilespmem:s30], [sflag:$0x1] =	stream.strided.gather [hbm4b:s7+s13], $0x8000, s14, s13, $0x38  }
0xac: {  	_ =	swait.ge [sflag:s17], $0x8000  }
0xad: {  	s31 =	sand.u32 $0x7800, s30;
	s23 =	sand.u32 $0x380, s30;
	[sflag:s17] =	ssyncset.done $0x0  }
0xae: {  	s23 =	sor.u32 s23, s31;
	[sflag:s17] =	ssyncadd.s32 $0xFFFF8000  }
0xaf: {  	v38 =	vld [tilespmem:s23+$0x8470]  }
0xb0: {  	v39 =	vld [tilespmem:s23+$0x8000]  }
0xb1: {  	v40 =	vld [tilespmem:s23+$0x8010]  }
0xb2: {  	v41 =	vld [tilespmem:s23+$0x8020]  }
0xb3: {  	v0 =	vmax.f32 v0, v16;
	v8 =	vmax.f32 v8, v17;
	v42 =	vld [tilespmem:s23+$0x8030]  }
0xb4: {  	v1 =	vmax.f32 v1, v18;
	v2 =	vmax.f32 v2, v19;
	v9 =	vmax.f32 v9, v20;
	v19 =	vld [tilespmem:s23+$0x8040]  }
0xb5: {  	v3 =	vmax.f32 v3, v21;
	v20 =	vld [tilespmem:s23+$0x8050];
	v4 =	vmax.f32 v4, v22;
	v10 =	vmax.f32 v10, v23  }
0xb6: {  	v21 =	vld [tilespmem:s23+$0x8060];
	v5 =	vmax.f32 v5, v24;
	v6 =	vmax.f32 v6, v25;
	v11 =	vmax.f32 v11, v26  }
0xb7: {  	v7 =	vmax.f32 v7, v27;
	v12 =	vmax.f32 v12, v28;
	v14 =	vmax.f32 v14, v29;
	v22 =	vld [tilespmem:s23+$0x8070]  }
0xb8: {  	v13 =	vmax.f32 v13, v30;
	v15 =	vmax.f32 v15, v31;
	v0 =	vmax.f32 v0, v32;
	v23 =	vld [tilespmem:s23+$0x8400]  }
0xb9: {  	v16 =	vld [tilespmem:s23+$0x8410];
	v8 =	vmax.f32 v8, v33;
	v1 =	vmax.f32 v1, v34;
	v2 =	vmax.f32 v2, v35  }
0xba: {  	v17 =	vld [tilespmem:s23+$0x8420];
	v9 =	vmax.f32 v9, v36;
	v3 =	vmax.f32 v3, v37;
	v4 =	vmax.f32 v4, v38  }
0xbb: {  	v18 =	vld [tilespmem:s23+$0x8430];
	v10 =	vmax.f32 v10, v39;
	v5 =	vmax.f32 v5, v40;
	v6 =	vmax.f32 v6, v41  }
0xbc: {  	s25 =	simm.s32 $0x100;
	s24 =	simm.s32 $0x80;
	v11 =	vmax.f32 v11, v42;
	v7 =	vmax.f32 v7, v19;
	v12 =	vmax.f32 v12, v20;
	v19 =	vld [tilespmem:s23+$0x8440]  }
0xbd: {  	s26 =	sand.u32 $0x7800, s25;
	s25 =	simm.s32 $0x200;
	s28 =	sand.u32 $0x380, s24;
	v14 =	vmax.f32 v14, v21;
	v20 =	vld [tilespmem:s23+$0x8450];
	v13 =	vmax.f32 v13, v22;
	v15 =	vmax.f32 v15, v23  }
.LBB2_8:
0xbe: {  	p0 =	sne.s32 s25, $0x7F00;
	v0 =	vmax.f32 v0, v16;
	v16 =	vld [tilespmem:s23+$0x8460];
	s23 =	sor.u32 s28, s26  }
0xbf: {  	v21 =	vld [tilespmem:s23+$0x8470];
	v8 =	vmax.f32 v8, v17  }
0xc0: {  	v17 =	vld [tilespmem:s23+$0x8000];
	v1 =	vmax.f32 v1, v18  }
0xc1: {  	v18 =	vld [tilespmem:s23+$0x8010];
	v2 =	vmax.f32 v2, v19  }
0xc2: {  	v19 =	vld [tilespmem:s23+$0x8020];
	v9 =	vmax.f32 v9, v20  }
0xc3: {  	v20 =	vld [tilespmem:s23+$0x8030];
	v3 =	vmax.f32 v3, v16  }
0xc4: {  	v16 =	vld [tilespmem:s23+$0x8040];
	v4 =	vmax.f32 v4, v21  }
0xc5: {  	v10 =	vmax.f32 v10, v17;
	v17 =	vld [tilespmem:s23+$0x8050]  }
0xc6: {  	v5 =	vmax.f32 v5, v18;
	v18 =	vld [tilespmem:s23+$0x8060]  }
0xc7: {  	v6 =	vmax.f32 v6, v19;
	v19 =	vld [tilespmem:s23+$0x8070]  }
0xc8: {  	v11 =	vmax.f32 v11, v20;
	v20 =	vld [tilespmem:s23+$0x8400]  }
.Ltmp3:
0xc9: {  	v7 =	vmax.f32 v7, v16;
	v16 =	vld [tilespmem:s23+$0x8410];
	(pc) =	sbr.rel @p0 .LBB2_8-.Ltmp3, $4  }
0xca: {  	v12 =	vmax.f32 v12, v17;
	v17 =	vld [tilespmem:s23+$0x8420]  }
0xcb: {  	v14 =	vmax.f32 v14, v18;
	v18 =	vld [tilespmem:s23+$0x8430]  }
0xcc: {  	s24 =	sadd.s32 $0x80, s24;
	v13 =	vmax.f32 v13, v19;
	v19 =	vld [tilespmem:s23+$0x8440]  }
0xcd: {  	s26 =	sand.u32 $0x7800, s25;
	s25 =	sadd.s32 $0x100, s25;
	s28 =	sand.u32 $0x380, s24;
	v15 =	vmax.f32 v15, v20;
	v20 =	vld [tilespmem:s23+$0x8450]  }
0xce: {  	s24 =	sor.u32 s28, s26;
	v21 =	vld [tilespmem:s23+$0x8460]  }
0xcf: {  	v22 =	vld [tilespmem:s24+$0x8470]  }
0xd0: {  	v23 =	vld [tilespmem:s24+$0x8000]  }
0xd1: {  	v24 =	vld [tilespmem:s24+$0x8010]  }
0xd2: {  	v25 =	vld [tilespmem:s24+$0x8020]  }
0xd3: {  	v26 =	vld [tilespmem:s24+$0x8030]  }
0xd4: {  	v27 =	vld [tilespmem:s24+$0x8040]  }
0xd5: {  	v28 =	vld [tilespmem:s24+$0x8050]  }
0xd6: {  	v29 =	vld [tilespmem:s24+$0x8060]  }
0xd7: {  	v30 =	vld [tilespmem:s24+$0x8070]  }
0xd8: {  	v31 =	vld [tilespmem:s24+$0x8400]  }
0xd9: {  	v32 =	vld [tilespmem:s24+$0x8410]  }
0xda: {  	v33 =	vld [tilespmem:s24+$0x8420]  }
0xdb: {  	v34 =	vld [tilespmem:s24+$0x8430]  }
0xdc: {  	v35 =	vld [tilespmem:s24+$0x8440]  }
0xdd: {  	v36 =	vld [tilespmem:s24+$0x8450]  }
0xde: {  	v37 =	vld [tilespmem:s24+$0x8460];
	[tilespmem:s15], [sflag:$0x2] =	stream.strided.gather [hbm4b:s8+s13], $0x8000, s14, s13, $0x38  }
0xdf: {  	s30 =	simm.s32 $0x0;
	_ =	swait.ge [sflag:s16], $0x8000  }
0xe0: {  	s31 =	sand.u32 $0x7800, s30;
	s23 =	sand.u32 $0x380, s30;
	[sflag:s16] =	ssyncset.done $0x0  }
0xe1: {  	s23 =	sor.u32 s23, s31;
	[sflag:s16] =	ssyncadd.s32 $0xFFFF8000  }
0xe2: {  	v38 =	vld [tilespmem:s23+$0x470]  }
0xe3: {  	v39 =	vld [tilespmem:s23+$0x0]  }
0xe4: {  	v40 =	vld [tilespmem:s23+$0x10]  }
0xe5: {  	v41 =	vld [tilespmem:s23+$0x20]  }
0xe6: {  	v0 =	vmax.f32 v0, v16;
	v8 =	vmax.f32 v8, v17;
	v42 =	vld [tilespmem:s23+$0x30]  }
0xe7: {  	v1 =	vmax.f32 v1, v18;
	v2 =	vmax.f32 v2, v19;
	v9 =	vmax.f32 v9, v20;
	v19 =	vld [tilespmem:s23+$0x40]  }
0xe8: {  	v3 =	vmax.f32 v3, v21;
	v20 =	vld [tilespmem:s23+$0x50];
	v4 =	vmax.f32 v4, v22;
	v10 =	vmax.f32 v10, v23  }
0xe9: {  	v21 =	vld [tilespmem:s23+$0x60];
	v5 =	vmax.f32 v5, v24;
	v6 =	vmax.f32 v6, v25;
	v11 =	vmax.f32 v11, v26  }
0xea: {  	v7 =	vmax.f32 v7, v27;
	v12 =	vmax.f32 v12, v28;
	v14 =	vmax.f32 v14, v29;
	v22 =	vld [tilespmem:s23+$0x70]  }
0xeb: {  	v13 =	vmax.f32 v13, v30;
	v15 =	vmax.f32 v15, v31;
	v0 =	vmax.f32 v0, v32;
	v23 =	vld [tilespmem:s23+$0x400]  }
0xec: {  	v16 =	vld [tilespmem:s23+$0x410];
	v8 =	vmax.f32 v8, v33;
	v1 =	vmax.f32 v1, v34;
	v2 =	vmax.f32 v2, v35  }
0xed: {  	v17 =	vld [tilespmem:s23+$0x420];
	v9 =	vmax.f32 v9, v36;
	v3 =	vmax.f32 v3, v37;
	v4 =	vmax.f32 v4, v38  }
0xee: {  	v18 =	vld [tilespmem:s23+$0x430];
	v10 =	vmax.f32 v10, v39;
	v5 =	vmax.f32 v5, v40;
	v6 =	vmax.f32 v6, v41  }
0xef: {  	s25 =	simm.s32 $0x100;
	s24 =	simm.s32 $0x80;
	v11 =	vmax.f32 v11, v42;
	v7 =	vmax.f32 v7, v19;
	v12 =	vmax.f32 v12, v20;
	v19 =	vld [tilespmem:s23+$0x440]  }
0xf0: {  	s26 =	sand.u32 $0x7800, s25;
	s25 =	simm.s32 $0x200;
	s28 =	sand.u32 $0x380, s24;
	v14 =	vmax.f32 v14, v21;
	v20 =	vld [tilespmem:s23+$0x450];
	v13 =	vmax.f32 v13, v22;
	v15 =	vmax.f32 v15, v23  }
.LBB2_10:
0xf1: {  	p0 =	sne.s32 s25, $0x7F00;
	v0 =	vmax.f32 v0, v16;
	v16 =	vld [tilespmem:s23+$0x460];
	s23 =	sor.u32 s28, s26  }
0xf2: {  	v21 =	vld [tilespmem:s23+$0x470];
	v8 =	vmax.f32 v8, v17  }
0xf3: {  	v17 =	vld [tilespmem:s23+$0x0];
	v1 =	vmax.f32 v1, v18  }
0xf4: {  	v18 =	vld [tilespmem:s23+$0x10];
	v2 =	vmax.f32 v2, v19  }
0xf5: {  	v19 =	vld [tilespmem:s23+$0x20];
	v9 =	vmax.f32 v9, v20  }
0xf6: {  	v20 =	vld [tilespmem:s23+$0x30];
	v3 =	vmax.f32 v3, v16  }
0xf7: {  	v16 =	vld [tilespmem:s23+$0x40];
	v4 =	vmax.f32 v4, v21  }
0xf8: {  	v10 =	vmax.f32 v10, v17;
	v17 =	vld [tilespmem:s23+$0x50]  }
0xf9: {  	v5 =	vmax.f32 v5, v18;
	v18 =	vld [tilespmem:s23+$0x60]  }
0xfa: {  	v6 =	vmax.f32 v6, v19;
	v19 =	vld [tilespmem:s23+$0x70]  }
0xfb: {  	v11 =	vmax.f32 v11, v20;
	v20 =	vld [tilespmem:s23+$0x400]  }
.Ltmp4:
0xfc: {  	v7 =	vmax.f32 v7, v16;
	v16 =	vld [tilespmem:s23+$0x410];
	(pc) =	sbr.rel @p0 .LBB2_10-.Ltmp4, $4  }
0xfd: {  	v12 =	vmax.f32 v12, v17;
	v17 =	vld [tilespmem:s23+$0x420]  }
0xfe: {  	v14 =	vmax.f32 v14, v18;
	v18 =	vld [tilespmem:s23+$0x430]  }
0xff: {  	s24 =	sadd.s32 $0x80, s24;
	v13 =	vmax.f32 v13, v19;
	v19 =	vld [tilespmem:s23+$0x440]  }
0x100: {  	s26 =	sand.u32 $0x7800, s25;
	s25 =	sadd.s32 $0x100, s25;
	s28 =	sand.u32 $0x380, s24;
	v15 =	vmax.f32 v15, v20;
	v20 =	vld [tilespmem:s23+$0x450]  }
0x101: {  	s24 =	sor.u32 s28, s26;
	v21 =	vld [tilespmem:s23+$0x460]  }
0x102: {  	v22 =	vld [tilespmem:s24+$0x470]  }
0x103: {  	v23 =	vld [tilespmem:s24+$0x0]  }
0x104: {  	v24 =	vld [tilespmem:s24+$0x10]  }
0x105: {  	v25 =	vld [tilespmem:s24+$0x20]  }
0x106: {  	v26 =	vld [tilespmem:s24+$0x30]  }
0x107: {  	v27 =	vld [tilespmem:s24+$0x40]  }
0x108: {  	v28 =	vld [tilespmem:s24+$0x50]  }
0x109: {  	v29 =	vld [tilespmem:s24+$0x60]  }
0x10a: {  	v30 =	vld [tilespmem:s24+$0x70]  }
0x10b: {  	v31 =	vld [tilespmem:s24+$0x400]  }
0x10c: {  	v32 =	vld [tilespmem:s24+$0x410]  }
0x10d: {  	v33 =	vld [tilespmem:s24+$0x420]  }
0x10e: {  	v34 =	vld [tilespmem:s24+$0x430]  }
0x10f: {  	v35 =	vld [tilespmem:s24+$0x440]  }
0x110: {  	s30 =	simm.s32 $0x0;
	v36 =	vld [tilespmem:s24+$0x450]  }
0x111: {  	v37 =	vld [tilespmem:s24+$0x460];
	[tilespmem:s30], [sflag:$0x1] =	stream.strided.gather [hbm4b:s9+s13], $0x8000, s14, s13, $0x38  }
0x112: {  	_ =	swait.ge [sflag:s17], $0x8000  }
0x113: {  	s31 =	sand.u32 $0x7800, s30;
	s23 =	sand.u32 $0x380, s30;
	[sflag:s17] =	ssyncset.done $0x0  }
0x114: {  	s23 =	sor.u32 s23, s31;
	[sflag:s17] =	ssyncadd.s32 $0xFFFF8000  }
0x115: {  	v38 =	vld [tilespmem:s23+$0x8470]  }
0x116: {  	v39 =	vld [tilespmem:s23+$0x8000]  }
0x117: {  	v40 =	vld [tilespmem:s23+$0x8010]  }
0x118: {  	v41 =	vld [tilespmem:s23+$0x8020]  }
0x119: {  	v0 =	vmax.f32 v0, v16;
	v8 =	vmax.f32 v8, v17;
	v42 =	vld [tilespmem:s23+$0x8030]  }
0x11a: {  	v1 =	vmax.f32 v1, v18;
	v2 =	vmax.f32 v2, v19;
	v9 =	vmax.f32 v9, v20;
	v19 =	vld [tilespmem:s23+$0x8040]  }
0x11b: {  	v3 =	vmax.f32 v3, v21;
	v20 =	vld [tilespmem:s23+$0x8050];
	v4 =	vmax.f32 v4, v22;
	v10 =	vmax.f32 v10, v23  }
0x11c: {  	v21 =	vld [tilespmem:s23+$0x8060];
	v5 =	vmax.f32 v5, v24;
	v6 =	vmax.f32 v6, v25;
	v11 =	vmax.f32 v11, v26  }
0x11d: {  	v7 =	vmax.f32 v7, v27;
	v12 =	vmax.f32 v12, v28;
	v14 =	vmax.f32 v14, v29;
	v22 =	vld [tilespmem:s23+$0x8070]  }
0x11e: {  	v13 =	vmax.f32 v13, v30;
	v15 =	vmax.f32 v15, v31;
	v0 =	vmax.f32 v0, v32;
	v23 =	vld [tilespmem:s23+$0x8400]  }
0x11f: {  	v16 =	vld [tilespmem:s23+$0x8410];
	v8 =	vmax.f32 v8, v33;
	v1 =	vmax.f32 v1, v34;
	v2 =	vmax.f32 v2, v35  }
0x120: {  	v17 =	vld [tilespmem:s23+$0x8420];
	v9 =	vmax.f32 v9, v36;
	v3 =	vmax.f32 v3, v37;
	v4 =	vmax.f32 v4, v38  }
0x121: {  	v18 =	vld [tilespmem:s23+$0x8430];
	v10 =	vmax.f32 v10, v39;
	v5 =	vmax.f32 v5, v40;
	v6 =	vmax.f32 v6, v41  }
0x122: {  	s25 =	simm.s32 $0x100;
	s24 =	simm.s32 $0x80;
	v11 =	vmax.f32 v11, v42;
	v7 =	vmax.f32 v7, v19;
	v12 =	vmax.f32 v12, v20;
	v19 =	vld [tilespmem:s23+$0x8440]  }
0x123: {  	s26 =	sand.u32 $0x7800, s25;
	s25 =	simm.s32 $0x200;
	s28 =	sand.u32 $0x380, s24;
	v14 =	vmax.f32 v14, v21;
	v20 =	vld [tilespmem:s23+$0x8450];
	v13 =	vmax.f32 v13, v22;
	v15 =	vmax.f32 v15, v23  }
.LBB2_12:
0x124: {  	p0 =	sne.s32 s25, $0x7F00;
	v0 =	vmax.f32 v0, v16;
	v16 =	vld [tilespmem:s23+$0x8460];
	s23 =	sor.u32 s28, s26  }
0x125: {  	v21 =	vld [tilespmem:s23+$0x8470];
	v8 =	vmax.f32 v8, v17  }
0x126: {  	v17 =	vld [tilespmem:s23+$0x8000];
	v1 =	vmax.f32 v1, v18  }
0x127: {  	v18 =	vld [tilespmem:s23+$0x8010];
	v2 =	vmax.f32 v2, v19  }
0x128: {  	v19 =	vld [tilespmem:s23+$0x8020];
	v9 =	vmax.f32 v9, v20  }
0x129: {  	v20 =	vld [tilespmem:s23+$0x8030];
	v3 =	vmax.f32 v3, v16  }
0x12a: {  	v16 =	vld [tilespmem:s23+$0x8040];
	v4 =	vmax.f32 v4, v21  }
0x12b: {  	v10 =	vmax.f32 v10, v17;
	v17 =	vld [tilespmem:s23+$0x8050]  }
0x12c: {  	v5 =	vmax.f32 v5, v18;
	v18 =	vld [tilespmem:s23+$0x8060]  }
0x12d: {  	v6 =	vmax.f32 v6, v19;
	v19 =	vld [tilespmem:s23+$0x8070]  }
0x12e: {  	v11 =	vmax.f32 v11, v20;
	v20 =	vld [tilespmem:s23+$0x8400]  }
.Ltmp5:
0x12f: {  	v7 =	vmax.f32 v7, v16;
	v16 =	vld [tilespmem:s23+$0x8410];
	(pc) =	sbr.rel @p0 .LBB2_12-.Ltmp5, $4  }
0x130: {  	v12 =	vmax.f32 v12, v17;
	v17 =	vld [tilespmem:s23+$0x8420]  }
0x131: {  	v14 =	vmax.f32 v14, v18;
	v18 =	vld [tilespmem:s23+$0x8430]  }
0x132: {  	s24 =	sadd.s32 $0x80, s24;
	v13 =	vmax.f32 v13, v19;
	v19 =	vld [tilespmem:s23+$0x8440]  }
0x133: {  	s26 =	sand.u32 $0x7800, s25;
	s25 =	sadd.s32 $0x100, s25;
	s28 =	sand.u32 $0x380, s24;
	v15 =	vmax.f32 v15, v20;
	v20 =	vld [tilespmem:s23+$0x8450]  }
0x134: {  	s24 =	sor.u32 s28, s26;
	v21 =	vld [tilespmem:s23+$0x8460]  }
0x135: {  	v22 =	vld [tilespmem:s24+$0x8470]  }
0x136: {  	v23 =	vld [tilespmem:s24+$0x8000]  }
0x137: {  	v24 =	vld [tilespmem:s24+$0x8010]  }
0x138: {  	v25 =	vld [tilespmem:s24+$0x8020]  }
0x139: {  	v26 =	vld [tilespmem:s24+$0x8030]  }
0x13a: {  	v27 =	vld [tilespmem:s24+$0x8040]  }
0x13b: {  	v28 =	vld [tilespmem:s24+$0x8050]  }
0x13c: {  	v29 =	vld [tilespmem:s24+$0x8060]  }
0x13d: {  	v30 =	vld [tilespmem:s24+$0x8070]  }
0x13e: {  	v31 =	vld [tilespmem:s24+$0x8400]  }
0x13f: {  	v32 =	vld [tilespmem:s24+$0x8410]  }
0x140: {  	v33 =	vld [tilespmem:s24+$0x8420]  }
0x141: {  	v34 =	vld [tilespmem:s24+$0x8430]  }
0x142: {  	v35 =	vld [tilespmem:s24+$0x8440]  }
0x143: {  	v36 =	vld [tilespmem:s24+$0x8450]  }
0x144: {  	v37 =	vld [tilespmem:s24+$0x8460];
	[tilespmem:s15], [sflag:$0x2] =	stream.strided.gather [hbm4b:s10+s13], $0x8000, s14, s13, $0x38  }
0x145: {  	s30 =	simm.s32 $0x0;
	_ =	swait.ge [sflag:s16], $0x8000  }
0x146: {  	s31 =	sand.u32 $0x7800, s30;
	s23 =	sand.u32 $0x380, s30;
	[sflag:s16] =	ssyncset.done $0x0  }
0x147: {  	s23 =	sor.u32 s23, s31;
	[sflag:s16] =	ssyncadd.s32 $0xFFFF8000  }
0x148: {  	v38 =	vld [tilespmem:s23+$0x470]  }
0x149: {  	v39 =	vld [tilespmem:s23+$0x0]  }
0x14a: {  	v40 =	vld [tilespmem:s23+$0x10]  }
0x14b: {  	v41 =	vld [tilespmem:s23+$0x20]  }
0x14c: {  	v0 =	vmax.f32 v0, v16;
	v8 =	vmax.f32 v8, v17;
	v42 =	vld [tilespmem:s23+$0x30]  }
0x14d: {  	v1 =	vmax.f32 v1, v18;
	v2 =	vmax.f32 v2, v19;
	v9 =	vmax.f32 v9, v20;
	v19 =	vld [tilespmem:s23+$0x40]  }
0x14e: {  	v3 =	vmax.f32 v3, v21;
	v20 =	vld [tilespmem:s23+$0x50];
	v4 =	vmax.f32 v4, v22;
	v10 =	vmax.f32 v10, v23  }
0x14f: {  	v21 =	vld [tilespmem:s23+$0x60];
	v5 =	vmax.f32 v5, v24;
	v6 =	vmax.f32 v6, v25;
	v11 =	vmax.f32 v11, v26  }
0x150: {  	v7 =	vmax.f32 v7, v27;
	v12 =	vmax.f32 v12, v28;
	v14 =	vmax.f32 v14, v29;
	v22 =	vld [tilespmem:s23+$0x70]  }
0x151: {  	v13 =	vmax.f32 v13, v30;
	v15 =	vmax.f32 v15, v31;
	v0 =	vmax.f32 v0, v32;
	v23 =	vld [tilespmem:s23+$0x400]  }
0x152: {  	v16 =	vld [tilespmem:s23+$0x410];
	v8 =	vmax.f32 v8, v33;
	v1 =	vmax.f32 v1, v34;
	v2 =	vmax.f32 v2, v35  }
0x153: {  	v17 =	vld [tilespmem:s23+$0x420];
	v9 =	vmax.f32 v9, v36;
	v3 =	vmax.f32 v3, v37;
	v4 =	vmax.f32 v4, v38  }
0x154: {  	v18 =	vld [tilespmem:s23+$0x430];
	v10 =	vmax.f32 v10, v39;
	v5 =	vmax.f32 v5, v40;
	v6 =	vmax.f32 v6, v41  }
0x155: {  	s25 =	simm.s32 $0x100;
	s24 =	simm.s32 $0x80;
	v11 =	vmax.f32 v11, v42;
	v7 =	vmax.f32 v7, v19;
	v12 =	vmax.f32 v12, v20;
	v19 =	vld [tilespmem:s23+$0x440]  }
0x156: {  	s26 =	sand.u32 $0x7800, s25;
	s25 =	simm.s32 $0x200;
	s28 =	sand.u32 $0x380, s24;
	v14 =	vmax.f32 v14, v21;
	v20 =	vld [tilespmem:s23+$0x450];
	v13 =	vmax.f32 v13, v22;
	v15 =	vmax.f32 v15, v23  }
.LBB2_14:
0x157: {  	p0 =	sne.s32 s25, $0x7F00;
	v0 =	vmax.f32 v0, v16;
	v16 =	vld [tilespmem:s23+$0x460];
	s23 =	sor.u32 s28, s26  }
0x158: {  	v21 =	vld [tilespmem:s23+$0x470];
	v8 =	vmax.f32 v8, v17  }
0x159: {  	v17 =	vld [tilespmem:s23+$0x0];
	v1 =	vmax.f32 v1, v18  }
0x15a: {  	v18 =	vld [tilespmem:s23+$0x10];
	v2 =	vmax.f32 v2, v19  }
0x15b: {  	v19 =	vld [tilespmem:s23+$0x20];
	v9 =	vmax.f32 v9, v20  }
0x15c: {  	v20 =	vld [tilespmem:s23+$0x30];
	v3 =	vmax.f32 v3, v16  }
0x15d: {  	v16 =	vld [tilespmem:s23+$0x40];
	v4 =	vmax.f32 v4, v21  }
0x15e: {  	v10 =	vmax.f32 v10, v17;
	v17 =	vld [tilespmem:s23+$0x50]  }
0x15f: {  	v5 =	vmax.f32 v5, v18;
	v18 =	vld [tilespmem:s23+$0x60]  }
0x160: {  	v6 =	vmax.f32 v6, v19;
	v19 =	vld [tilespmem:s23+$0x70]  }
0x161: {  	v11 =	vmax.f32 v11, v20;
	v20 =	vld [tilespmem:s23+$0x400]  }
.Ltmp6:
0x162: {  	v7 =	vmax.f32 v7, v16;
	v16 =	vld [tilespmem:s23+$0x410];
	(pc) =	sbr.rel @p0 .LBB2_14-.Ltmp6, $4  }
0x163: {  	v12 =	vmax.f32 v12, v17;
	v17 =	vld [tilespmem:s23+$0x420]  }
0x164: {  	v14 =	vmax.f32 v14, v18;
	v18 =	vld [tilespmem:s23+$0x430]  }
0x165: {  	s24 =	sadd.s32 $0x80, s24;
	v13 =	vmax.f32 v13, v19;
	v19 =	vld [tilespmem:s23+$0x440]  }
0x166: {  	s26 =	sand.u32 $0x7800, s25;
	s25 =	sadd.s32 $0x100, s25;
	s28 =	sand.u32 $0x380, s24;
	v15 =	vmax.f32 v15, v20;
	v20 =	vld [tilespmem:s23+$0x450]  }
0x167: {  	s24 =	sor.u32 s28, s26;
	v21 =	vld [tilespmem:s23+$0x460]  }
0x168: {  	v22 =	vld [tilespmem:s24+$0x470]  }
0x169: {  	v23 =	vld [tilespmem:s24+$0x0]  }
0x16a: {  	v24 =	vld [tilespmem:s24+$0x10]  }
0x16b: {  	v25 =	vld [tilespmem:s24+$0x20]  }
0x16c: {  	v26 =	vld [tilespmem:s24+$0x30]  }
0x16d: {  	v27 =	vld [tilespmem:s24+$0x40]  }
0x16e: {  	v28 =	vld [tilespmem:s24+$0x50]  }
0x16f: {  	v29 =	vld [tilespmem:s24+$0x60]  }
0x170: {  	v30 =	vld [tilespmem:s24+$0x70]  }
0x171: {  	v31 =	vld [tilespmem:s24+$0x400]  }
0x172: {  	v32 =	vld [tilespmem:s24+$0x410]  }
0x173: {  	v33 =	vld [tilespmem:s24+$0x420]  }
0x174: {  	v34 =	vld [tilespmem:s24+$0x430]  }
0x175: {  	v35 =	vld [tilespmem:s24+$0x440]  }
0x176: {  	v36 =	vld [tilespmem:s24+$0x450]  }
0x177: {  	s30 =	simm.s32 $0x0;
	v37 =	vld [tilespmem:s24+$0x460];
	_ =	swait.ge [sflag:s17], $0x8000  }
0x178: {  	s31 =	sand.u32 $0x7800, s30;
	s23 =	sand.u32 $0x380, s30;
	[sflag:s17] =	ssyncset.done $0x0  }
0x179: {  	s23 =	sor.u32 s23, s31;
	[sflag:s17] =	ssyncadd.s32 $0xFFFF8000  }
0x17a: {  	v38 =	vld [tilespmem:s23+$0x8470]  }
0x17b: {  	v39 =	vld [tilespmem:s23+$0x8000]  }
0x17c: {  	v40 =	vld [tilespmem:s23+$0x8010]  }
0x17d: {  	v41 =	vld [tilespmem:s23+$0x8020]  }
0x17e: {  	v0 =	vmax.f32 v0, v16;
	v8 =	vmax.f32 v8, v17;
	v42 =	vld [tilespmem:s23+$0x8030]  }
0x17f: {  	v1 =	vmax.f32 v1, v18;
	v2 =	vmax.f32 v2, v19;
	v9 =	vmax.f32 v9, v20;
	v19 =	vld [tilespmem:s23+$0x8040]  }
0x180: {  	v20 =	vld [tilespmem:s23+$0x8050];
	v16 =	vmax.f32 v3, v21;
	v18 =	vmax.f32 v4, v22;
	v10 =	vmax.f32 v10, v23  }
0x181: {  	v61 =	vld [tilespmem:s23+$0x8070];
	v21 =	vmax.f32 v5, v24;
	v22 =	vmax.f32 v6, v25;
	v11 =	vmax.f32 v11, v26  }
0x182: {  	v63 =	vld [tilespmem:s23+$0x8400];
	v7 =	vmax.f32 v7, v27;
	v12 =	vmax.f32 v12, v28;
	v60 =	vmax.f32 v14, v29  }
0x183: {  	v23 =	vld [tilespmem:s23+$0x8060];
	v13 =	vmax.f32 v13, v30;
	v62 =	vmax.f32 v15, v31;
	v6 =	vmax.f32 v0, v32  }
0x184: {  	v17 =	vld [tilespmem:s23+$0x8410];
	v5 =	vmax.f32 v8, v33;
	v4 =	vmax.f32 v1, v34;
	v3 =	vmax.f32 v2, v35  }
0x185: {  	v2 =	vmax.f32 v9, v36;
	v1 =	vmax.f32 v16, v37;
	v16 =	vld [tilespmem:s23+$0x8420];
	v0 =	vmax.f32 v18, v38  }
0x186: {  	v15 =	vmax.f32 v10, v39;
	v14 =	vmax.f32 v21, v40;
	v10 =	vmax.f32 v22, v41;
	v18 =	vld [tilespmem:s23+$0x8430]  }
0x187: {  	s25 =	simm.s32 $0x100;
	s24 =	simm.s32 $0x80;
	v11 =	vmax.f32 v11, v42;
	v7 =	vmax.f32 v7, v19;
	v8 =	vmax.f32 v12, v20;
	v19 =	vld [tilespmem:s23+$0x8440]  }
0x188: {  	s26 =	sand.u32 $0x7800, s25;
	s25 =	simm.s32 $0x200;
	s28 =	sand.u32 $0x380, s24;
	v9 =	vmax.f32 v13, v61;
	v13 =	vmax.f32 v62, v63;
	v20 =	vld [tilespmem:s23+$0x8450];
	v12 =	vmax.f32 v60, v23  }
.LBB2_16:
0x189: {  	p0 =	sne.s32 s25, $0x7F00;
	v6 =	vmax.f32 v6, v17;
	v17 =	vld [tilespmem:s23+$0x8460];
	s23 =	sor.u32 s28, s26  }
0x18a: {  	v21 =	vld [tilespmem:s23+$0x8470];
	v5 =	vmax.f32 v5, v16  }
0x18b: {  	v16 =	vld [tilespmem:s23+$0x8000];
	v4 =	vmax.f32 v4, v18  }
0x18c: {  	v18 =	vld [tilespmem:s23+$0x8010];
	v3 =	vmax.f32 v3, v19  }
0x18d: {  	v19 =	vld [tilespmem:s23+$0x8020];
	v2 =	vmax.f32 v2, v20  }
0x18e: {  	v20 =	vld [tilespmem:s23+$0x8030];
	v1 =	vmax.f32 v1, v17  }
0x18f: {  	v17 =	vld [tilespmem:s23+$0x8040];
	v0 =	vmax.f32 v0, v21  }
0x190: {  	v15 =	vmax.f32 v15, v16;
	v16 =	vld [tilespmem:s23+$0x8050]  }
0x191: {  	v14 =	vmax.f32 v14, v18;
	v18 =	vld [tilespmem:s23+$0x8060]  }
0x192: {  	v10 =	vmax.f32 v10, v19;
	v19 =	vld [tilespmem:s23+$0x8070]  }
0x193: {  	v11 =	vmax.f32 v11, v20;
	v20 =	vld [tilespmem:s23+$0x8400]  }
.Ltmp7:
0x194: {  	v7 =	vmax.f32 v7, v17;
	v17 =	vld [tilespmem:s23+$0x8410];
	(pc) =	sbr.rel @p0 .LBB2_16-.Ltmp7, $4  }
0x195: {  	v8 =	vmax.f32 v8, v16;
	v16 =	vld [tilespmem:s23+$0x8420]  }
0x196: {  	v12 =	vmax.f32 v12, v18;
	v18 =	vld [tilespmem:s23+$0x8430]  }
0x197: {  	s24 =	sadd.s32 $0x80, s24;
	v9 =	vmax.f32 v9, v19;
	v19 =	vld [tilespmem:s23+$0x8440]  }
0x198: {  	s26 =	sand.u32 $0x7800, s25;
	s25 =	sadd.s32 $0x100, s25;
	s28 =	sand.u32 $0x380, s24;
	v13 =	vmax.f32 v13, v20;
	v20 =	vld [tilespmem:s23+$0x8450]  }
0x199: {  	s24 =	sor.u32 s28, s26;
	v21 =	vld [tilespmem:s23+$0x8460]  }
0x19a: {  	v22 =	vld [tilespmem:s24+$0x8470]  }
0x19b: {  	v23 =	vld [tilespmem:s24+$0x8000]  }
0x19c: {  	v24 =	vld [tilespmem:s24+$0x8010]  }
0x19d: {  	v25 =	vld [tilespmem:s24+$0x8020]  }
0x19e: {  	v26 =	vld [tilespmem:s24+$0x8030]  }
0x19f: {  	v27 =	vld [tilespmem:s24+$0x8040]  }
0x1a0: {  	v28 =	vld [tilespmem:s24+$0x8050]  }
0x1a1: {  	v29 =	vld [tilespmem:s24+$0x8060]  }
0x1a2: {  	v30 =	vld [tilespmem:s24+$0x8070]  }
0x1a3: {  	v31 =	vld [tilespmem:s24+$0x8400]  }
0x1a4: {  	v32 =	vld [tilespmem:s24+$0x8410]  }
0x1a5: {  	v33 =	vld [tilespmem:s24+$0x8420]  }
0x1a6: {  	v34 =	vld [tilespmem:s24+$0x8430]  }
0x1a7: {  	v35 =	vld [tilespmem:s24+$0x8440]  }
0x1a8: {  	v36 =	vld [tilespmem:s24+$0x8450];
	v15 =	vmax.f32 v15, v23  }
0x1a9: {  	v60 =	vld [tilespmem:s24+$0x8460];
	v14 =	vmax.f32 v14, v24;
	[tilespmem:$0x10000] =	vst v15  }
0x1aa: {  	v10 =	vmax.f32 v10, v25;
	[tilespmem:$0x10010] =	vst v14  }
0x1ab: {  	v11 =	vmax.f32 v11, v26;
	[tilespmem:$0x10020] =	vst v10  }
0x1ac: {  	v7 =	vmax.f32 v7, v27;
	[tilespmem:$0x10030] =	vst v11  }
0x1ad: {  	v8 =	vmax.f32 v8, v28;
	[tilespmem:$0x10040] =	vst v7  }
0x1ae: {  	v61 =	vmax.f32 v12, v29;
	[tilespmem:$0x10050] =	vst v8  }
0x1af: {  	v62 =	vmax.f32 v9, v30;
	[tilespmem:$0x10060] =	vst v61  }
0x1b0: {  	v6 =	vmax.f32 v6, v17;
	v63 =	vmax.f32 v13, v31;
	[tilespmem:$0x10070] =	vst v62  }
0x1b1: {  	v5 =	vmax.f32 v5, v16;
	v6 =	vmax.f32 v6, v32;
	[tilespmem:$0x10080] =	vst v63  }
0x1b2: {  	v4 =	vmax.f32 v4, v18;
	v5 =	vmax.f32 v5, v33;
	[tilespmem:$0x10090] =	vst v6  }
0x1b3: {  	v3 =	vmax.f32 v3, v19;
	v4 =	vmax.f32 v4, v34;
	[tilespmem:$0x100A0] =	vst v5  }
0x1b4: {  	v2 =	vmax.f32 v2, v20;
	v3 =	vmax.f32 v3, v35;
	[tilespmem:$0x100B0] =	vst v4  }
0x1b5: {  	v1 =	vmax.f32 v1, v21;
	v2 =	vmax.f32 v2, v36;
	[tilespmem:$0x100C0] =	vst v3  }
0x1b6: {  	s22 =	sadd.s32 $0x1, s22;
	v1 =	vmax.f32 v1, v60;
	[tilespmem:$0x100D0] =	vst v2  }
0x1b7: {  	p0 =	sne.s32 s22, s12;
	v0 =	vmax.f32 v0, v22;
	[tilespmem:$0x100E0] =	vst v1  }
.Ltmp8:
0x1b8: {  	[tilespmem:$0x100F0] =	vst v0;
	(pc) =	sbr.rel @p0 .LBB2_1-.Ltmp8, $4  }
0x1b9: {  	[hbm4b:s11+s18] =	stream.strided.scatter [tilespmem:s20], [sflag:$0x3], $0x100, s19, s18, $0x38;
	[tilespmem:$0x10100] =	vst v63  }
0x1ba: {  	_ =	swait.ge [sflag:s21], $0x100  }
0x1bb: {  	[sflag:s21] =	ssyncset.done $0x0  }
0x1bc: {  	[sflag:s21] =	ssyncadd.s32 $0xFFFFFF00  }
0x1bd: {  	_ =	sfence.sel $0x180000  }
0x1be: {  	[bflag:$0x0] =	sbarrier.arrive $0xFFFF  }
0x1bf: {  	p0 =	sne.s32 s0, $0x0;
	_ =	strace $0x90000047  }
0x1c0: {  	s0 =	sadd.s32 @!p0 $0x100000, s1;
	[bflag:$0x2] =	sbarrier.arrive $0xFFFF  }
0x1c1: {  	[sflag:s0] =	ssyncadd.tile.s32 @!p0 $0x1;
	_ =	shalt  }
.Lfunc_end2:
_tile_overlayer_lowered:
.L_overlay_start_2:
0x1c2: {  	(tag) =	ssettag $0x2  }
0x1c3: {  	s0 =	rddreg [dreg:$0x0];
	s2 =	stileid.u32  }
0x1c4: {  	s1 =	rddreg [dreg:$0x1];
	p0 =	sne.s32 s2, $0x0  }
0x1c5: {  	s3 =	rddreg [dreg:$0x2];
	[bflag:$0x3] =	sbarrier.arrive $0xFFFF;
	s2 =	simm.s32 @!p0 $0x1C03  }
0x1c6: {  	[timem:s3], [sflag:s2] =	dma.local @!p0 [hbm:s0], s1  }
0x1c7: {  	s0 =	simm.s32 @!p0 $0x3  }
0x1c8: {  	_ =	swait.ge @!p0 [sflag:s0], s1  }
0x1c9: {  	s1 =	ssub.s32 @!p0 $0x0, s1;
	[sflag:s0] =	ssyncset.done @!p0 $0x0  }
0x1ca: {  	[sflag:s0] =	ssyncadd.s32 @!p0 s1  }
0x1cb: {  	[bflag:$0x3] =	sbarrier.arrive $0xFFFF  }
0x1cc: {  	_ =	shalt  }

</sc_bundles>
